<compile_context>
chip_gen: v7x
topology: tpu7x:2x2x1
jax: 0.10.2.dev20260603
libtpu: 0.0.44.dev20260713+nightly
codegen_flags: <defaults>
</compile_context>

<pallas_src>
import functools

import jax
import jax.numpy as jnp
from jax import lax
from jax.experimental import pallas as pl
from jax.experimental.pallas import tpu as pltpu
from jax.experimental.pallas import tpu_sc as plsc

_HID = 64
_L = 200
_B = 4096
_VOCAB = 1000000
_NW = 32
_ROWS_PER_W = _B // _NW
_NBUF = 3
_SPLITS = ((0, 104), (104, 96))


def _tpe_body(x_hbm, tok_hbm, pos_hbm, out_hbm, *scratch):
  bufs = scratch[0:_NBUF]
  idxs = scratch[_NBUF:2 * _NBUF]
  pos_v = scratch[2 * _NBUF]
  isems = scratch[2 * _NBUF + 1:2 * _NBUF + 1 + _NBUF]
  gsems = scratch[2 * _NBUF + 1 + _NBUF:2 * _NBUF + 1 + 2 * _NBUF]
  ssems = scratch[2 * _NBUF + 1 + 2 * _NBUF:]

  wid = lax.axis_index("s") * 2 + lax.axis_index("c")
  row0 = wid * _ROWS_PER_W

  pltpu.sync_copy(pos_hbm.at[pl.ds(0, _L)], pos_v)

  def start_idx(ci, s):
    base = (row0 + ci) * _L
    pltpu.make_async_copy(
        x_hbm.at[pl.ds(base, _L)], idxs[s].at[pl.ds(0, _L)],
        isems[s]).start()

  def prep_and_gather(s):
    pltpu.make_async_copy(
        x_hbm.at[pl.ds(0, _L)], idxs[s].at[pl.ds(0, _L)],
        isems[s]).wait()

    @plsc.parallel_loop(0, _L, 16)
    def _(r):
      sl = pl.ds(r, 16)
      idxs[s][sl] = idxs[s][sl] * 2

    for (off, n) in _SPLITS:
      pltpu.make_async_copy(
          tok_hbm.at[idxs[s].at[pl.ds(off, n)]],
          bufs[s].at[pl.ds(off, n)],
          gsems[s],
      ).start()

  def wait_gather(s):
    pltpu.make_async_copy(
        tok_hbm.at[idxs[s].at[pl.ds(0, _L)]], bufs[s], gsems[s]).wait()

  def start_scatter(ci, s):
    pltpu.make_async_copy(
        bufs[s], out_hbm.at[row0 + ci, pl.ds(0, _L), pl.ds(0, _HID)],
        ssems[s]).start()

  def wait_scatter(s):
    pltpu.make_async_copy(
        bufs[s], out_hbm.at[0, pl.ds(0, _L), pl.ds(0, _HID)],
        ssems[s]).wait()

  def add_pos(s):
    buf = bufs[s]

    @plsc.parallel_loop(0, _L, 1, unroll=4)
    def _(r):
      for c in range(_HID // 16):
        sl = pl.ds(c * 16, 16)
        buf[r, sl] = buf[r, sl] + pos_v[r, sl]

  for j in range(_NBUF):
    start_idx(j, j)
  prep_and_gather(0)
  prep_and_gather(1)

  def chunk_tail(ci, k):
    wait_gather(k)

    @pl.when(ci + _NBUF < _ROWS_PER_W)
    def _():
      start_idx(ci + _NBUF, k)

    add_pos(k)
    start_scatter(ci, k)

  def step(i, carry):
    for k in range(_NBUF):
      ci = i * _NBUF + k
      s2 = (k + 2) % _NBUF

      @pl.when(ci + 2 < _ROWS_PER_W)
      def _():
        @pl.when(ci >= 1)
        def _():
          wait_scatter(s2)
        prep_and_gather(s2)

      chunk_tail(ci, k)
    return carry

  lax.fori_loop(0, (_ROWS_PER_W - 2) // _NBUF, step, 0)
  chunk_tail(_ROWS_PER_W - 2, (_ROWS_PER_W - 2) % _NBUF)
  chunk_tail(_ROWS_PER_W - 1, (_ROWS_PER_W - 1) % _NBUF)

  for s in range(_NBUF):
    wait_scatter(s)


@jax.jit
def _tpe_call(x_flat, tok_rows, pos_table):
  mesh = plsc.VectorSubcoreMesh(core_axis_name="c", subcore_axis_name="s")
  kern = functools.partial(
      pl.kernel,
      mesh=mesh,
      compiler_params=pltpu.CompilerParams(use_tc_tiling_on_sc=False),
      out_type=jax.ShapeDtypeStruct((_B, _L, 2 * _HID), jnp.float32),
      scratch_types=(
          [pltpu.VMEM((_L, _HID), jnp.float32) for _ in range(_NBUF)]
          + [pltpu.VMEM((208,), jnp.int32) for _ in range(_NBUF)]
          + [pltpu.VMEM((_L, _HID), jnp.float32)]
          + [pltpu.SemaphoreType.DMA] * (3 * _NBUF)
      ),
  )(_tpe_body)
  return kern(x_flat, tok_rows, pos_table)


def kernel(x, tok_table, pos_table):
  x_flat = jnp.reshape(x.astype(jnp.int32), (_B * _L,))
  tok_rows = jnp.reshape(
      jnp.pad(tok_table, ((0, 0), (0, _HID))), (2 * _VOCAB, _HID))
  out_wide = _tpe_call(x_flat, tok_rows, pos_table)
  return out_wide[:, :, :_HID]

# --- scband reference (transcript-rebuilt; emitter-appended) ---
"""Pipeline reference for scband-token-position-embedder-5729486372950 (READ-ONLY COPY).

The authoritative reference and input builder live on the scoring server;
editing this copy changes nothing except your own understanding.
"""

import jax, jax.numpy as jnp
import numpy as np

VOCAB = 1000000
MAX_SEQ = 2048
HID = 64
B = 4096
L = 200

def setup_inputs(seed: int = 0) -> dict:
    key = jax.random.key(seed)
    k1, k2, k3 = jax.random.split(key, 3)
    x = jax.random.randint(k1, (B, L), 0, VOCAB, dtype=jnp.int64 if jax.config.jax_enable_x64 else jnp.int32)
    tok_table = jax.random.normal(k2, (VOCAB, HID), dtype=jnp.float32) * 0.02
    pos_table = jax.random.normal(k3, (MAX_SEQ, HID), dtype=jnp.float32) * 0.02
    return {"x": x, "tok_table": tok_table, "pos_table": pos_table}

def reference(x, tok_table, pos_table):
    # positions = arange(L) expanded over batch
    positions = jnp.arange(x.shape[1])
    tok = jnp.take(tok_table, x, axis=0)              # [B, L, HID]
    pos = jnp.take(pos_table, positions, axis=0)      # [L, HID]
    return tok + pos[None, :, :]

if __name__ == "__main__":
    import jax
    _d = setup_inputs()
    print(jax.jit(kernel)(*tuple(_d.values())))

</pallas_src>

<mosaic_0001>
#map = affine_map<(d0, d1) -> (0)>
#map1 = affine_map<(d0, d1) -> (0, 0)>
#map2 = affine_map<(d0, d1) -> (0, 0, 0)>
module attributes {stable_mosaic.version = 14 : i64} {
  func.func @_tpe_body(%arg0: i32, %arg1: i32, %arg2: memref<819200xi32, #tpu.memory_space<hbm>>, %arg3: memref<2000000x64xf32, #tpu.memory_space<hbm>>, %arg4: memref<2048x64xf32, #tpu.memory_space<hbm>>, %arg5: memref<4096x200x128xf32, #tpu.memory_space<hbm>>, %arg6: memref<200x64xf32, #tpu.memory_space<vmem>>, %arg7: memref<200x64xf32, #tpu.memory_space<vmem>>, %arg8: memref<200x64xf32, #tpu.memory_space<vmem>>, %arg9: memref<208xi32, #tpu.memory_space<vmem>>, %arg10: memref<208xi32, #tpu.memory_space<vmem>>, %arg11: memref<208xi32, #tpu.memory_space<vmem>>, %arg12: memref<200x64xf32, #tpu.memory_space<vmem>>, %arg13: memref<!tpu.dma_semaphore, #tpu.memory_space<semaphore_mem>>, %arg14: memref<!tpu.dma_semaphore, #tpu.memory_space<semaphore_mem>>, %arg15: memref<!tpu.dma_semaphore, #tpu.memory_space<semaphore_mem>>, %arg16: memref<!tpu.dma_semaphore, #tpu.memory_space<semaphore_mem>>, %arg17: memref<!tpu.dma_semaphore, #tpu.memory_space<semaphore_mem>>, %arg18: memref<!tpu.dma_semaphore, #tpu.memory_space<semaphore_mem>>, %arg19: memref<!tpu.dma_semaphore, #tpu.memory_space<semaphore_mem>>, %arg20: memref<!tpu.dma_semaphore, #tpu.memory_space<semaphore_mem>>, %arg21: memref<!tpu.dma_semaphore, #tpu.memory_space<semaphore_mem>>) attributes {dimension_semantics = [#tpu.dimension_semantics<core_parallel>, #tpu.dimension_semantics<subcore_parallel>], iteration_bounds = array<i64: 2, 16>, scalar_prefetch = 0 : i64, scratch_operands = 16 : i64, tpu.core_type = #tpu.core_type<sc_vector_subcore>, window_params = [{transform_indices = #map}, {transform_indices = #map1}, {transform_indices = #map1}, {transform_indices = #map2}]} {
    %mul3A = arith.constant 2 : i32
    %mul3A_0 = arith.muli %arg1, %mul3A : i32
    %add3A = arith.addi %mul3A_0, %arg0 : i32
    %mul3A_1 = arith.constant 128 : i32
    %mul3A_2 = arith.muli %add3A, %mul3A_1 : i32
    "tpu.region"() ({
      %run_scoped3A = tpu.sem_alloc : memref<!tpu.dma_semaphore, #tpu.memory_space<semaphore_mem>>
      %dma_start3A_152 = arith.constant 0 : i32
      %dma_start3A_153 = arith.constant 0 : i32
      %dma_start3A_154 = tpu.memref_slice %arg4[%dma_start3A_152, %dma_start3A_153] : memref<2048x64xf32, #tpu.memory_space<hbm>> -> memref<200x64xf32, #tpu.memory_space<hbm>>
      %dma_start3A_155 = arith.constant 0 : i32
      %dma_start3A_156 = arith.constant 0 : i32
      %dma_start3A_157 = tpu.memref_slice %arg4[%dma_start3A_155, %dma_start3A_156] : memref<2048x64xf32, #tpu.memory_space<hbm>> -> memref<200x64xf32, #tpu.memory_space<hbm>>
      tpu.enqueue_dma source(%dma_start3A_157 : memref<200x64xf32, #tpu.memory_space<hbm>>) target(%arg12 : memref<200x64xf32, #tpu.memory_space<vmem>>) target_semaphore(%run_scoped3A : memref<!tpu.dma_semaphore, #tpu.memory_space<semaphore_mem>>)
      %dma_wait3A_158 = arith.constant 0 : i32
      %dma_wait3A_159 = arith.constant 0 : i32
      %dma_wait3A_160 = tpu.memref_slice %arg4[%dma_wait3A_158, %dma_wait3A_159] : memref<2048x64xf32, #tpu.memory_space<hbm>> -> memref<200x64xf32, #tpu.memory_space<hbm>>
      %dma_wait3A_161 = arith.constant 0 : i32
      %dma_wait3A_162 = arith.constant 0 : i32
      %dma_wait3A_163 = tpu.memref_slice %arg4[%dma_wait3A_161, %dma_wait3A_162] : memref<2048x64xf32, #tpu.memory_space<hbm>> -> memref<200x64xf32, #tpu.memory_space<hbm>>
      tpu.wait_dma2 semaphore(%run_scoped3A : memref<!tpu.dma_semaphore, #tpu.memory_space<semaphore_mem>>) src(%dma_wait3A_163 : memref<200x64xf32, #tpu.memory_space<hbm>>) dst(%arg12 : memref<200x64xf32, #tpu.memory_space<vmem>>)
      tpu.yield
    }) : () -> ()
    %add3A_3 = arith.constant 0 : i32
    %add3A_4 = arith.addi %mul3A_2, %add3A_3 : i32
    %mul3A_5 = arith.constant 200 : i32
    %mul3A_6 = arith.muli %add3A_4, %mul3A_5 : i32
    %dma_start3A = arith.constant 0 : i32
    %dma_start3A_7 = tpu.memref_slice %arg9[%dma_start3A] : memref<208xi32, #tpu.memory_space<vmem>> -> memref<200xi32, #tpu.memory_space<vmem>>
    %dma_start3A_8 = tpu.memref_slice %arg2[%mul3A_6] : memref<819200xi32, #tpu.memory_space<hbm>> -> memref<200xi32, #tpu.memory_space<hbm>>
    %dma_start3A_9 = arith.constant 0 : i32
    %dma_start3A_10 = tpu.memref_slice %arg9[%dma_start3A_9] : memref<208xi32, #tpu.memory_space<vmem>> -> memref<200xi32, #tpu.memory_space<vmem>>
    %dma_start3A_11 = tpu.memref_slice %arg2[%mul3A_6] : memref<819200xi32, #tpu.memory_space<hbm>> -> memref<200xi32, #tpu.memory_space<hbm>>
    tpu.enqueue_dma source(%dma_start3A_11 : memref<200xi32, #tpu.memory_space<hbm>>) target(%dma_start3A_10 : memref<200xi32, #tpu.memory_space<vmem>>) target_semaphore(%arg13 : memref<!tpu.dma_semaphore, #tpu.memory_space<semaphore_mem>>)
    %add3A_12 = arith.constant 1 : i32
    %add3A_13 = arith.addi %mul3A_2, %add3A_12 : i32
    %mul3A_14 = arith.constant 200 : i32
    %mul3A_15 = arith.muli %add3A_13, %mul3A_14 : i32
    %dma_start3A_16 = arith.constant 0 : i32
    %dma_start3A_17 = tpu.memref_slice %arg10[%dma_start3A_16] : memref<208xi32, #tpu.memory_space<vmem>> -> memref<200xi32, #tpu.memory_space<vmem>>
    %dma_start3A_18 = tpu.memref_slice %arg2[%mul3A_15] : memref<819200xi32, #tpu.memory_space<hbm>> -> memref<200xi32, #tpu.memory_space<hbm>>
    %dma_start3A_19 = arith.constant 0 : i32
    %dma_start3A_20 = tpu.memref_slice %arg10[%dma_start3A_19] : memref<208xi32, #tpu.memory_space<vmem>> -> memref<200xi32, #tpu.memory_space<vmem>>
    %dma_start3A_21 = tpu.memref_slice %arg2[%mul3A_15] : memref<819200xi32, #tpu.memory_space<hbm>> -> memref<200xi32, #tpu.memory_space<hbm>>
    tpu.enqueue_dma source(%dma_start3A_21 : memref<200xi32, #tpu.memory_space<hbm>>) target(%dma_start3A_20 : memref<200xi32, #tpu.memory_space<vmem>>) target_semaphore(%arg14 : memref<!tpu.dma_semaphore, #tpu.memory_space<semaphore_mem>>)
    %add3A_22 = arith.constant 2 : i32
    %add3A_23 = arith.addi %mul3A_2, %add3A_22 : i32
    %mul3A_24 = arith.constant 200 : i32
    %mul3A_25 = arith.muli %add3A_23, %mul3A_24 : i32
    %dma_start3A_26 = arith.constant 0 : i32
    %dma_start3A_27 = tpu.memref_slice %arg11[%dma_start3A_26] : memref<208xi32, #tpu.memory_space<vmem>> -> memref<200xi32, #tpu.memory_space<vmem>>
    %dma_start3A_28 = tpu.memref_slice %arg2[%mul3A_25] : memref<819200xi32, #tpu.memory_space<hbm>> -> memref<200xi32, #tpu.memory_space<hbm>>
    %dma_start3A_29 = arith.constant 0 : i32
    %dma_start3A_30 = tpu.memref_slice %arg11[%dma_start3A_29] : memref<208xi32, #tpu.memory_space<vmem>> -> memref<200xi32, #tpu.memory_space<vmem>>
    %dma_start3A_31 = tpu.memref_slice %arg2[%mul3A_25] : memref<819200xi32, #tpu.memory_space<hbm>> -> memref<200xi32, #tpu.memory_space<hbm>>
    tpu.enqueue_dma source(%dma_start3A_31 : memref<200xi32, #tpu.memory_space<hbm>>) target(%dma_start3A_30 : memref<200xi32, #tpu.memory_space<vmem>>) target_semaphore(%arg15 : memref<!tpu.dma_semaphore, #tpu.memory_space<semaphore_mem>>)
    %dma_wait3A = arith.constant 0 : i32
    %dma_wait3A_32 = tpu.memref_slice %arg9[%dma_wait3A] : memref<208xi32, #tpu.memory_space<vmem>> -> memref<200xi32, #tpu.memory_space<vmem>>
    %dma_wait3A_33 = arith.constant 0 : i32
    %dma_wait3A_34 = tpu.memref_slice %arg2[%dma_wait3A_33] : memref<819200xi32, #tpu.memory_space<hbm>> -> memref<200xi32, #tpu.memory_space<hbm>>
    %dma_wait3A_35 = arith.constant 0 : i32
    %dma_wait3A_36 = tpu.memref_slice %arg9[%dma_wait3A_35] : memref<208xi32, #tpu.memory_space<vmem>> -> memref<200xi32, #tpu.memory_space<vmem>>
    %dma_wait3A_37 = arith.constant 0 : i32
    %dma_wait3A_38 = tpu.memref_slice %arg2[%dma_wait3A_37] : memref<819200xi32, #tpu.memory_space<hbm>> -> memref<200xi32, #tpu.memory_space<hbm>>
    tpu.wait_dma2 semaphore(%arg13 : memref<!tpu.dma_semaphore, #tpu.memory_space<semaphore_mem>>) src(%dma_wait3A_38 : memref<200xi32, #tpu.memory_space<hbm>>) dst(%dma_wait3A_36 : memref<200xi32, #tpu.memory_space<vmem>>)
    %parallel_loop3A = arith.constant 0 : i32
    %parallel_loop3A_39 = arith.constant 200 : i32
    %parallel_loop3A_40 = arith.constant 16 : i32
    scf.for %parallel_loop3A_152 = %parallel_loop3A to %parallel_loop3A_39 step %parallel_loop3A_40  : i32 {
      %parallel_loop3A_153 = arith.index_cast %parallel_loop3A_152 : i32 to index
      %parallel_loop3A_154 = tpu.vector_load %arg9[%parallel_loop3A_153] {strides = array<i32>} : memref<208xi32, #tpu.memory_space<vmem>>, vector<16xi32>,
      %parallel_loop3A_155 = vector.shape_cast %parallel_loop3A_154 : vector<16xi32> to vector<16xi32>
      %parallel_loop3A_156 = arith.constant 2 : i32
      %parallel_loop3A_157 = vector.broadcast %parallel_loop3A_156 : i32 to vector<16xi32>
      %parallel_loop3A_158 = arith.muli %parallel_loop3A_155, %parallel_loop3A_157 : vector<16xi32>
      %parallel_loop3A_159 = arith.index_cast %parallel_loop3A_152 : i32 to index
      %parallel_loop3A_160 = tpu.vector_load %arg9[%parallel_loop3A_159] {strides = array<i32>} : memref<208xi32, #tpu.memory_space<vmem>>, vector<16xi32>,
      %parallel_loop3A_161 = vector.shape_cast %parallel_loop3A_160 : vector<16xi32> to vector<16xi32>
      %parallel_loop3A_162 = vector.shape_cast %parallel_loop3A_158 : vector<16xi32> to vector<16xi32>
      tpu.vector_store %arg9[%parallel_loop3A_159], %parallel_loop3A_162 {strides = array<i32>} : memref<208xi32, #tpu.memory_space<vmem>>, vector<16xi32>,
    } {sc.loop_unroll_factor = 1 : i64, sc.parallel_access}
    %dma_start3A_41 = arith.constant 0 : i32
    %dma_start3A_42 = arith.constant 0 : i32
    %dma_start3A_43 = tpu.memref_slice %arg6[%dma_start3A_41, %dma_start3A_42] : memref<200x64xf32, #tpu.memory_space<vmem>> -> memref<104x64xf32, #tpu.memory_space<vmem>>
    %dma_start3A_44 = arith.constant 0 : i32
    %dma_start3A_45 = tpu.memref_slice %arg9[%dma_start3A_44] : memref<208xi32, #tpu.memory_space<vmem>> -> memref<104xi32, #tpu.memory_space<vmem>>
    %dma_start3A_46 = arith.constant 0 : i32
    %dma_start3A_47 = arith.constant 0 : i32
    %dma_start3A_48 = tpu.memref_slice %arg3[%dma_start3A_46, %dma_start3A_47] : memref<2000000x64xf32, #tpu.memory_space<hbm>> -> memref<2000000x64xf32, #tpu.memory_space<hbm>>
    tpu.enqueue_indirect_dma source(%dma_start3A_48 : memref<2000000x64xf32, #tpu.memory_space<hbm>>) target(%dma_start3A_43 : memref<104x64xf32, #tpu.memory_space<vmem>>) offsets(%dma_start3A_45 : memref<104xi32, #tpu.memory_space<vmem>>) semaphore(%arg16 : memref<!tpu.dma_semaphore, #tpu.memory_space<semaphore_mem>>)
    %dma_start3A_49 = arith.constant 104 : i32
    %dma_start3A_50 = arith.constant 0 : i32
    %dma_start3A_51 = tpu.memref_slice %arg6[%dma_start3A_49, %dma_start3A_50] : memref<200x64xf32, #tpu.memory_space<vmem>> -> memref<96x64xf32, #tpu.memory_space<vmem>>
    %dma_start3A_52 = arith.constant 104 : i32
    %dma_start3A_53 = tpu.memref_slice %arg9[%dma_start3A_52] : memref<208xi32, #tpu.memory_space<vmem>> -> memref<96xi32, #tpu.memory_space<vmem>>
    %dma_start3A_54 = arith.constant 0 : i32
    %dma_start3A_55 = arith.constant 0 : i32
    %dma_start3A_56 = tpu.memref_slice %arg3[%dma_start3A_54, %dma_start3A_55] : memref<2000000x64xf32, #tpu.memory_space<hbm>> -> memref<2000000x64xf32, #tpu.memory_space<hbm>>
    tpu.enqueue_indirect_dma source(%dma_start3A_56 : memref<2000000x64xf32, #tpu.memory_space<hbm>>) target(%dma_start3A_51 : memref<96x64xf32, #tpu.memory_space<vmem>>) offsets(%dma_start3A_53 : memref<96xi32, #tpu.memory_space<vmem>>) semaphore(%arg16 : memref<!tpu.dma_semaphore, #tpu.memory_space<semaphore_mem>>)
    %dma_wait3A_57 = arith.constant 0 : i32
    %dma_wait3A_58 = tpu.memref_slice %arg10[%dma_wait3A_57] : memref<208xi32, #tpu.memory_space<vmem>> -> memref<200xi32, #tpu.memory_space<vmem>>
    %dma_wait3A_59 = arith.constant 0 : i32
    %dma_wait3A_60 = tpu.memref_slice %arg2[%dma_wait3A_59] : memref<819200xi32, #tpu.memory_space<hbm>> -> memref<200xi32, #tpu.memory_space<hbm>>
    %dma_wait3A_61 = arith.constant 0 : i32
    %dma_wait3A_62 = tpu.memref_slice %arg10[%dma_wait3A_61] : memref<208xi32, #tpu.memory_space<vmem>> -> memref<200xi32, #tpu.memory_space<vmem>>
    %dma_wait3A_63 = arith.constant 0 : i32
    %dma_wait3A_64 = tpu.memref_slice %arg2[%dma_wait3A_63] : memref<819200xi32, #tpu.memory_space<hbm>> -> memref<200xi32, #tpu.memory_space<hbm>>
    tpu.wait_dma2 semaphore(%arg14 : memref<!tpu.dma_semaphore, #tpu.memory_space<semaphore_mem>>) src(%dma_wait3A_64 : memref<200xi32, #tpu.memory_space<hbm>>) dst(%dma_wait3A_62 : memref<200xi32, #tpu.memory_space<vmem>>)
    %parallel_loop3A_65 = arith.constant 0 : i32
    %parallel_loop3A_66 = arith.constant 200 : i32
    %parallel_loop3A_67 = arith.constant 16 : i32
    scf.for %parallel_loop3A_152 = %parallel_loop3A_65 to %parallel_loop3A_66 step %parallel_loop3A_67  : i32 {
      %parallel_loop3A_153 = arith.index_cast %parallel_loop3A_152 : i32 to index
      %parallel_loop3A_154 = tpu.vector_load %arg10[%parallel_loop3A_153] {strides = array<i32>} : memref<208xi32, #tpu.memory_space<vmem>>, vector<16xi32>,
      %parallel_loop3A_155 = vector.shape_cast %parallel_loop3A_154 : vector<16xi32> to vector<16xi32>
      %parallel_loop3A_156 = arith.constant 2 : i32
      %parallel_loop3A_157 = vector.broadcast %parallel_loop3A_156 : i32 to vector<16xi32>
      %parallel_loop3A_158 = arith.muli %parallel_loop3A_155, %parallel_loop3A_157 : vector<16xi32>
      %parallel_loop3A_159 = arith.index_cast %parallel_loop3A_152 : i32 to index
      %parallel_loop3A_160 = tpu.vector_load %arg10[%parallel_loop3A_159] {strides = array<i32>} : memref<208xi32, #tpu.memory_space<vmem>>, vector<16xi32>,
      %parallel_loop3A_161 = vector.shape_cast %parallel_loop3A_160 : vector<16xi32> to vector<16xi32>
      %parallel_loop3A_162 = vector.shape_cast %parallel_loop3A_158 : vector<16xi32> to vector<16xi32>
      tpu.vector_store %arg10[%parallel_loop3A_159], %parallel_loop3A_162 {strides = array<i32>} : memref<208xi32, #tpu.memory_space<vmem>>, vector<16xi32>,
    } {sc.loop_unroll_factor = 1 : i64, sc.parallel_access}
    %dma_start3A_68 = arith.constant 0 : i32
    %dma_start3A_69 = arith.constant 0 : i32
    %dma_start3A_70 = tpu.memref_slice %arg7[%dma_start3A_68, %dma_start3A_69] : memref<200x64xf32, #tpu.memory_space<vmem>> -> memref<104x64xf32, #tpu.memory_space<vmem>>
    %dma_start3A_71 = arith.constant 0 : i32
    %dma_start3A_72 = tpu.memref_slice %arg10[%dma_start3A_71] : memref<208xi32, #tpu.memory_space<vmem>> -> memref<104xi32, #tpu.memory_space<vmem>>
    %dma_start3A_73 = arith.constant 0 : i32
    %dma_start3A_74 = arith.constant 0 : i32
    %dma_start3A_75 = tpu.memref_slice %arg3[%dma_start3A_73, %dma_start3A_74] : memref<2000000x64xf32, #tpu.memory_space<hbm>> -> memref<2000000x64xf32, #tpu.memory_space<hbm>>
    tpu.enqueue_indirect_dma source(%dma_start3A_75 : memref<2000000x64xf32, #tpu.memory_space<hbm>>) target(%dma_start3A_70 : memref<104x64xf32, #tpu.memory_space<vmem>>) offsets(%dma_start3A_72 : memref<104xi32, #tpu.memory_space<vmem>>) semaphore(%arg17 : memref<!tpu.dma_semaphore, #tpu.memory_space<semaphore_mem>>)
    %dma_start3A_76 = arith.constant 104 : i32
    %dma_start3A_77 = arith.constant 0 : i32
    %dma_start3A_78 = tpu.memref_slice %arg7[%dma_start3A_76, %dma_start3A_77] : memref<200x64xf32, #tpu.memory_space<vmem>> -> memref<96x64xf32, #tpu.memory_space<vmem>>
    %dma_start3A_79 = arith.constant 104 : i32
    %dma_start3A_80 = tpu.memref_slice %arg10[%dma_start3A_79] : memref<208xi32, #tpu.memory_space<vmem>> -> memref<96xi32, #tpu.memory_space<vmem>>
    %dma_start3A_81 = arith.constant 0 : i32
    %dma_start3A_82 = arith.constant 0 : i32
    %dma_start3A_83 = tpu.memref_slice %arg3[%dma_start3A_81, %dma_start3A_82] : memref<2000000x64xf32, #tpu.memory_space<hbm>> -> memref<2000000x64xf32, #tpu.memory_space<hbm>>
    tpu.enqueue_indirect_dma source(%dma_start3A_83 : memref<2000000x64xf32, #tpu.memory_space<hbm>>) target(%dma_start3A_78 : memref<96x64xf32, #tpu.memory_space<vmem>>) offsets(%dma_start3A_80 : memref<96xi32, #tpu.memory_space<vmem>>) semaphore(%arg17 : memref<!tpu.dma_semaphore, #tpu.memory_space<semaphore_mem>>)
    %scan3A = arith.constant 0 : i32
    %scan3A_84 = arith.constant 0 : i32
    %scan3A_85 = arith.constant 42 : i32
    %scan3A_86 = arith.addi %scan3A_84, %scan3A_85 : i32
    %scan3A_87 = arith.constant 1 : i32
    scf.for %scan3A_152 = %scan3A_84 to %scan3A_86 step %scan3A_87  : i32 {
      %mul3A_153 = arith.constant 3 : i32
      %mul3A_154 = arith.muli %scan3A_152, %mul3A_153 : i32
      %add3A_155 = arith.constant 0 : i32
      %add3A_156 = arith.addi %mul3A_154, %add3A_155 : i32
      %add3A_157 = arith.constant 2 : i32
      %add3A_158 = arith.addi %add3A_156, %add3A_157 : i32
      %lt3A = arith.constant 128 : i32
      %lt3A_159 = arith.cmpi slt, %add3A_158, %lt3A : i32
      %convert_element_type3A = arith.extui %lt3A_159 : i1 to i32
      %cond3A = arith.constant 0 : i32
      %cond3A_160 = arith.cmpi ne, %convert_element_type3A, %cond3A : i32
      scf.if %cond3A_160 {
        %ge3A = arith.constant 1 : i32
        %ge3A_255 = arith.cmpi sge, %add3A_156, %ge3A : i32
        %convert_element_type3A_256 = arith.extui %ge3A_255 : i1 to i32
        %cond3A_257 = arith.constant 0 : i32
        %cond3A_258 = arith.cmpi ne, %convert_element_type3A_256, %cond3A_257 : i32
        scf.if %cond3A_258 {
          %dma_wait3A_286 = arith.constant 0 : i32
          %dma_wait3A_287 = arith.constant 0 : i32
          %dma_wait3A_288 = arith.constant 0 : i32
          %dma_wait3A_289 = tpu.memref_slice %arg5[%dma_wait3A_286, %dma_wait3A_287, %dma_wait3A_288] : memref<4096x200x128xf32, #tpu.memory_space<hbm>> -> memref<1x200x64xf32, #tpu.memory_space<hbm>>
          %dma_wait3A_290 = tpu.memref_squeeze %dma_wait3A_289 : memref<1x200x64xf32, #tpu.memory_space<hbm>> -> memref<200x64xf32, #tpu.memory_space<hbm>>
          %dma_wait3A_291 = arith.constant 0 : i32
          %dma_wait3A_292 = arith.constant 0 : i32
          %dma_wait3A_293 = tpu.memref_slice %arg5[%dma_wait3A_286, %dma_wait3A_291, %dma_wait3A_292] : memref<4096x200x128xf32, #tpu.memory_space<hbm>> -> memref<1x200x64xf32, #tpu.memory_space<hbm>>
          %dma_wait3A_294 = tpu.memref_squeeze %dma_wait3A_293 : memref<1x200x64xf32, #tpu.memory_space<hbm>> -> memref<200x64xf32, #tpu.memory_space<hbm>>
          tpu.wait_dma2 semaphore(%arg21 : memref<!tpu.dma_semaphore, #tpu.memory_space<semaphore_mem>>) src(%arg8 : memref<200x64xf32, #tpu.memory_space<vmem>>) dst(%dma_wait3A_294 : memref<200x64xf32, #tpu.memory_space<hbm>>)
        } else {
        }
        %dma_wait3A_259 = arith.constant 0 : i32
        %dma_wait3A_260 = tpu.memref_slice %arg11[%dma_wait3A_259] : memref<208xi32, #tpu.memory_space<vmem>> -> memref<200xi32, #tpu.memory_space<vmem>>
        %dma_wait3A_261 = arith.constant 0 : i32
        %dma_wait3A_262 = tpu.memref_slice %arg2[%dma_wait3A_261] : memref<819200xi32, #tpu.memory_space<hbm>> -> memref<200xi32, #tpu.memory_space<hbm>>
        %dma_wait3A_263 = arith.constant 0 : i32
        %dma_wait3A_264 = tpu.memref_slice %arg11[%dma_wait3A_263] : memref<208xi32, #tpu.memory_space<vmem>> -> memref<200xi32, #tpu.memory_space<vmem>>
        %dma_wait3A_265 = arith.constant 0 : i32
        %dma_wait3A_266 = tpu.memref_slice %arg2[%dma_wait3A_265] : memref<819200xi32, #tpu.memory_space<hbm>> -> memref<200xi32, #tpu.memory_space<hbm>>
        tpu.wait_dma2 semaphore(%arg15 : memref<!tpu.dma_semaphore, #tpu.memory_space<semaphore_mem>>) src(%dma_wait3A_266 : memref<200xi32, #tpu.memory_space<hbm>>) dst(%dma_wait3A_264 : memref<200xi32, #tpu.memory_space<vmem>>)
        %parallel_loop3A_267 = arith.constant 0 : i32
        %parallel_loop3A_268 = arith.constant 200 : i32
        %parallel_loop3A_269 = arith.constant 16 : i32
        scf.for %parallel_loop3A_286 = %parallel_loop3A_267 to %parallel_loop3A_268 step %parallel_loop3A_269  : i32 {
          %parallel_loop3A_287 = arith.index_cast %parallel_loop3A_286 : i32 to index
          %parallel_loop3A_288 = tpu.vector_load %arg11[%parallel_loop3A_287] {strides = array<i32>} : memref<208xi32, #tpu.memory_space<vmem>>, vector<16xi32>,
          %parallel_loop3A_289 = vector.shape_cast %parallel_loop3A_288 : vector<16xi32> to vector<16xi32>
          %parallel_loop3A_290 = arith.constant 2 : i32
          %parallel_loop3A_291 = vector.broadcast %parallel_loop3A_290 : i32 to vector<16xi32>
          %parallel_loop3A_292 = arith.muli %parallel_loop3A_289, %parallel_loop3A_291 : vector<16xi32>
          %parallel_loop3A_293 = arith.index_cast %parallel_loop3A_286 : i32 to index
          %parallel_loop3A_294 = tpu.vector_load %arg11[%parallel_loop3A_293] {strides = array<i32>} : memref<208xi32, #tpu.memory_space<vmem>>, vector<16xi32>,
          %parallel_loop3A_295 = vector.shape_cast %parallel_loop3A_294 : vector<16xi32> to vector<16xi32>
          %parallel_loop3A_296 = vector.shape_cast %parallel_loop3A_292 : vector<16xi32> to vector<16xi32>
          tpu.vector_store %arg11[%parallel_loop3A_293], %parallel_loop3A_296 {strides = array<i32>} : memref<208xi32, #tpu.memory_space<vmem>>, vector<16xi32>,
        } {sc.loop_unroll_factor = 1 : i64, sc.parallel_access}
        %dma_start3A_270 = arith.constant 0 : i32
        %dma_start3A_271 = arith.constant 0 : i32
        %dma_start3A_272 = tpu.memref_slice %arg8[%dma_start3A_270, %dma_start3A_271] : memref<200x64xf32, #tpu.memory_space<vmem>> -> memref<104x64xf32, #tpu.memory_space<vmem>>
        %dma_start3A_273 = arith.constant 0 : i32
        %dma_start3A_274 = tpu.memref_slice %arg11[%dma_start3A_273] : memref<208xi32, #tpu.memory_space<vmem>> -> memref<104xi32, #tpu.memory_space<vmem>>
        %dma_start3A_275 = arith.constant 0 : i32
        %dma_start3A_276 = arith.constant 0 : i32
        %dma_start3A_277 = tpu.memref_slice %arg3[%dma_start3A_275, %dma_start3A_276] : memref<2000000x64xf32, #tpu.memory_space<hbm>> -> memref<2000000x64xf32, #tpu.memory_space<hbm>>
        tpu.enqueue_indirect_dma source(%dma_start3A_277 : memref<2000000x64xf32, #tpu.memory_space<hbm>>) target(%dma_start3A_272 : memref<104x64xf32, #tpu.memory_space<vmem>>) offsets(%dma_start3A_274 : memref<104xi32, #tpu.memory_space<vmem>>) semaphore(%arg18 : memref<!tpu.dma_semaphore, #tpu.memory_space<semaphore_mem>>)
        %dma_start3A_278 = arith.constant 104 : i32
        %dma_start3A_279 = arith.constant 0 : i32
        %dma_start3A_280 = tpu.memref_slice %arg8[%dma_start3A_278, %dma_start3A_279] : memref<200x64xf32, #tpu.memory_space<vmem>> -> memref<96x64xf32, #tpu.memory_space<vmem>>
        %dma_start3A_281 = arith.constant 104 : i32
        %dma_start3A_282 = tpu.memref_slice %arg11[%dma_start3A_281] : memref<208xi32, #tpu.memory_space<vmem>> -> memref<96xi32, #tpu.memory_space<vmem>>
        %dma_start3A_283 = arith.constant 0 : i32
        %dma_start3A_284 = arith.constant 0 : i32
        %dma_start3A_285 = tpu.memref_slice %arg3[%dma_start3A_283, %dma_start3A_284] : memref<2000000x64xf32, #tpu.memory_space<hbm>> -> memref<2000000x64xf32, #tpu.memory_space<hbm>>
        tpu.enqueue_indirect_dma source(%dma_start3A_285 : memref<2000000x64xf32, #tpu.memory_space<hbm>>) target(%dma_start3A_280 : memref<96x64xf32, #tpu.memory_space<vmem>>) offsets(%dma_start3A_282 : memref<96xi32, #tpu.memory_space<vmem>>) semaphore(%arg18 : memref<!tpu.dma_semaphore, #tpu.memory_space<semaphore_mem>>)
      } else {
      }
      %dma_wait3A_161 = arith.constant 0 : i32
      %dma_wait3A_162 = tpu.memref_slice %arg9[%dma_wait3A_161] : memref<208xi32, #tpu.memory_space<vmem>> -> memref<200xi32, #tpu.memory_space<vmem>>
      %dma_wait3A_163 = arith.constant 0 : i32
      %dma_wait3A_164 = arith.constant 0 : i32
      %dma_wait3A_165 = tpu.memref_slice %arg3[%dma_wait3A_163, %dma_wait3A_164] : memref<2000000x64xf32, #tpu.memory_space<hbm>> -> memref<2000000x64xf32, #tpu.memory_space<hbm>>
      tpu.wait_indirect_dma semaphore(%arg16 : memref<!tpu.dma_semaphore, #tpu.memory_space<semaphore_mem>>) src(%dma_wait3A_165 : memref<2000000x64xf32, #tpu.memory_space<hbm>>) dst(%arg6 : memref<200x64xf32, #tpu.memory_space<vmem>>)
      %add3A_166 = arith.constant 3 : i32
      %add3A_167 = arith.addi %add3A_156, %add3A_166 : i32
      %lt3A_168 = arith.constant 128 : i32
      %lt3A_169 = arith.cmpi slt, %add3A_167, %lt3A_168 : i32
      %convert_element_type3A_170 = arith.extui %lt3A_169 : i1 to i32
      %cond3A_171 = arith.constant 0 : i32
      %cond3A_172 = arith.cmpi ne, %convert_element_type3A_170, %cond3A_171 : i32
      scf.if %cond3A_172 {
        %add3A_255 = arith.constant 3 : i32
        %add3A_256 = arith.addi %add3A_156, %add3A_255 : i32
        %add3A_257 = arith.addi %mul3A_2, %add3A_256 : i32
        %mul3A_258 = arith.constant 200 : i32
        %mul3A_259 = arith.muli %add3A_257, %mul3A_258 : i32
        %dma_start3A_260 = arith.constant 0 : i32
        %dma_start3A_261 = tpu.memref_slice %arg9[%dma_start3A_260] : memref<208xi32, #tpu.memory_space<vmem>> -> memref<200xi32, #tpu.memory_space<vmem>>
        %dma_start3A_262 = tpu.memref_slice %arg2[%mul3A_259] : memref<819200xi32, #tpu.memory_space<hbm>> -> memref<200xi32, #tpu.memory_space<hbm>>
        %dma_start3A_263 = arith.constant 0 : i32
        %dma_start3A_264 = tpu.memref_slice %arg9[%dma_start3A_263] : memref<208xi32, #tpu.memory_space<vmem>> -> memref<200xi32, #tpu.memory_space<vmem>>
        %dma_start3A_265 = tpu.memref_slice %arg2[%mul3A_259] : memref<819200xi32, #tpu.memory_space<hbm>> -> memref<200xi32, #tpu.memory_space<hbm>>
        tpu.enqueue_dma source(%dma_start3A_265 : memref<200xi32, #tpu.memory_space<hbm>>) target(%dma_start3A_264 : memref<200xi32, #tpu.memory_space<vmem>>) target_semaphore(%arg13 : memref<!tpu.dma_semaphore, #tpu.memory_space<semaphore_mem>>)
      } else {
      }
      %parallel_loop3A_173 = arith.constant 0 : i32
      %parallel_loop3A_174 = arith.constant 200 : i32
      %parallel_loop3A_175 = arith.constant 1 : i32
      scf.for %parallel_loop3A_255 = %parallel_loop3A_173 to %parallel_loop3A_174 step %parallel_loop3A_175  : i32 {
        %parallel_loop3A_256 = arith.index_cast %parallel_loop3A_255 : i32 to index
        %parallel_loop3A_257 = arith.constant 0 : index
        %parallel_loop3A_258 = tpu.vector_load %arg6[%parallel_loop3A_256, %parallel_loop3A_257] {strides = array<i32>} : memref<200x64xf32, #tpu.memory_space<vmem>>, vector<1x16xf32>,
        %parallel_loop3A_259 = vector.shape_cast %parallel_loop3A_258 : vector<1x16xf32> to vector<16xf32>
        %parallel_loop3A_260 = arith.index_cast %parallel_loop3A_255 : i32 to index
        %parallel_loop3A_261 = arith.constant 0 : index
        %parallel_loop3A_262 = tpu.vector_load %arg12[%parallel_loop3A_260, %parallel_loop3A_261] {strides = array<i32>} : memref<200x64xf32, #tpu.memory_space<vmem>>, vector<1x16xf32>,
        %parallel_loop3A_263 = vector.shape_cast %parallel_loop3A_262 : vector<1x16xf32> to vector<16xf32>
        %parallel_loop3A_264 = arith.addf %parallel_loop3A_259, %parallel_loop3A_263 : vector<16xf32>
        %parallel_loop3A_265 = arith.index_cast %parallel_loop3A_255 : i32 to index
        %parallel_loop3A_266 = arith.constant 0 : index
        %parallel_loop3A_267 = tpu.vector_load %arg6[%parallel_loop3A_265, %parallel_loop3A_266] {strides = array<i32>} : memref<200x64xf32, #tpu.memory_space<vmem>>, vector<1x16xf32>,
        %parallel_loop3A_268 = vector.shape_cast %parallel_loop3A_267 : vector<1x16xf32> to vector<16xf32>
        %parallel_loop3A_269 = vector.shape_cast %parallel_loop3A_264 : vector<16xf32> to vector<1x16xf32>
        tpu.vector_store %arg6[%parallel_loop3A_265, %parallel_loop3A_266], %parallel_loop3A_269 {strides = array<i32>} : memref<200x64xf32, #tpu.memory_space<vmem>>, vector<1x16xf32>,
        %parallel_loop3A_270 = arith.index_cast %parallel_loop3A_255 : i32 to index
        %parallel_loop3A_271 = arith.constant 16 : index
        %parallel_loop3A_272 = tpu.vector_load %arg6[%parallel_loop3A_270, %parallel_loop3A_271] {strides = array<i32>} : memref<200x64xf32, #tpu.memory_space<vmem>>, vector<1x16xf32>,
        %parallel_loop3A_273 = vector.shape_cast %parallel_loop3A_272 : vector<1x16xf32> to vector<16xf32>
        %parallel_loop3A_274 = arith.index_cast %parallel_loop3A_255 : i32 to index
        %parallel_loop3A_275 = arith.constant 16 : index
        %parallel_loop3A_276 = tpu.vector_load %arg12[%parallel_loop3A_274, %parallel_loop3A_275] {strides = array<i32>} : memref<200x64xf32, #tpu.memory_space<vmem>>, vector<1x16xf32>,
        %parallel_loop3A_277 = vector.shape_cast %parallel_loop3A_276 : vector<1x16xf32> to vector<16xf32>
        %parallel_loop3A_278 = arith.addf %parallel_loop3A_273, %parallel_loop3A_277 : vector<16xf32>
        %parallel_loop3A_279 = arith.index_cast %parallel_loop3A_255 : i32 to index
        %parallel_loop3A_280 = arith.constant 16 : index
        %parallel_loop3A_281 = tpu.vector_load %arg6[%parallel_loop3A_279, %parallel_loop3A_280] {strides = array<i32>} : memref<200x64xf32, #tpu.memory_space<vmem>>, vector<1x16xf32>,
        %parallel_loop3A_282 = vector.shape_cast %parallel_loop3A_281 : vector<1x16xf32> to vector<16xf32>
        %parallel_loop3A_283 = vector.shape_cast %parallel_loop3A_278 : vector<16xf32> to vector<1x16xf32>
        tpu.vector_store %arg6[%parallel_loop3A_279, %parallel_loop3A_280], %parallel_loop3A_283 {strides = array<i32>} : memref<200x64xf32, #tpu.memory_space<vmem>>, vector<1x16xf32>,
        %parallel_loop3A_284 = arith.index_cast %parallel_loop3A_255 : i32 to index
        %parallel_loop3A_285 = arith.constant 32 : index
        %parallel_loop3A_286 = tpu.vector_load %arg6[%parallel_loop3A_284, %parallel_loop3A_285] {strides = array<i32>} : memref<200x64xf32, #tpu.memory_space<vmem>>, vector<1x16xf32>,
        %parallel_loop3A_287 = vector.shape_cast %parallel_loop3A_286 : vector<1x16xf32> to vector<16xf32>
        %parallel_loop3A_288 = arith.index_cast %parallel_loop3A_255 : i32 to index
        %parallel_loop3A_289 = arith.constant 32 : index
        %parallel_loop3A_290 = tpu.vector_load %arg12[%parallel_loop3A_288, %parallel_loop3A_289] {strides = array<i32>} : memref<200x64xf32, #tpu.memory_space<vmem>>, vector<1x16xf32>,
        %parallel_loop3A_291 = vector.shape_cast %parallel_loop3A_290 : vector<1x16xf32> to vector<16xf32>
        %parallel_loop3A_292 = arith.addf %parallel_loop3A_287, %parallel_loop3A_291 : vector<16xf32>
        %parallel_loop3A_293 = arith.index_cast %parallel_loop3A_255 : i32 to index
        %parallel_loop3A_294 = arith.constant 32 : index
        %parallel_loop3A_295 = tpu.vector_load %arg6[%parallel_loop3A_293, %parallel_loop3A_294] {strides = array<i32>} : memref<200x64xf32, #tpu.memory_space<vmem>>, vector<1x16xf32>,
        %parallel_loop3A_296 = vector.shape_cast %parallel_loop3A_295 : vector<1x16xf32> to vector<16xf32>
        %parallel_loop3A_297 = vector.shape_cast %parallel_loop3A_292 : vector<16xf32> to vector<1x16xf32>
        tpu.vector_store %arg6[%parallel_loop3A_293, %parallel_loop3A_294], %parallel_loop3A_297 {strides = array<i32>} : memref<200x64xf32, #tpu.memory_space<vmem>>, vector<1x16xf32>,
        %parallel_loop3A_298 = arith.index_cast %parallel_loop3A_255 : i32 to index
        %parallel_loop3A_299 = arith.constant 48 : index
        %parallel_loop3A_300 = tpu.vector_load %arg6[%parallel_loop3A_298, %parallel_loop3A_299] {strides = array<i32>} : memref<200x64xf32, #tpu.memory_space<vmem>>, vector<1x16xf32>,
        %parallel_loop3A_301 = vector.shape_cast %parallel_loop3A_300 : vector<1x16xf32> to vector<16xf32>
        %parallel_loop3A_302 = arith.index_cast %parallel_loop3A_255 : i32 to index
        %parallel_loop3A_303 = arith.constant 48 : index
        %parallel_loop3A_304 = tpu.vector_load %arg12[%parallel_loop3A_302, %parallel_loop3A_303] {strides = array<i32>} : memref<200x64xf32, #tpu.memory_space<vmem>>, vector<1x16xf32>,
        %parallel_loop3A_305 = vector.shape_cast %parallel_loop3A_304 : vector<1x16xf32> to vector<16xf32>
        %parallel_loop3A_306 = arith.addf %parallel_loop3A_301, %parallel_loop3A_305 : vector<16xf32>
        %parallel_loop3A_307 = arith.index_cast %parallel_loop3A_255 : i32 to index
        %parallel_loop3A_308 = arith.constant 48 : index
        %parallel_loop3A_309 = tpu.vector_load %arg6[%parallel_loop3A_307, %parallel_loop3A_308] {strides = array<i32>} : memref<200x64xf32, #tpu.memory_space<vmem>>, vector<1x16xf32>,
        %parallel_loop3A_310 = vector.shape_cast %parallel_loop3A_309 : vector<1x16xf32> to vector<16xf32>
        %parallel_loop3A_311 = vector.shape_cast %parallel_loop3A_306 : vector<16xf32> to vector<1x16xf32>
        tpu.vector_store %arg6[%parallel_loop3A_307, %parallel_loop3A_308], %parallel_loop3A_311 {strides = array<i32>} : memref<200x64xf32, #tpu.memory_space<vmem>>, vector<1x16xf32>,
      } {sc.loop_unroll_factor = 4 : i64, sc.parallel_access}
      %add3A_176 = arith.addi %mul3A_2, %add3A_156 : i32
      %dma_start3A_177 = arith.constant 0 : i32
      %dma_start3A_178 = arith.constant 0 : i32
      %dma_start3A_179 = tpu.memref_slice %arg5[%add3A_176, %dma_start3A_177, %dma_start3A_178] : memref<4096x200x128xf32, #tpu.memory_space<hbm>> -> memref<1x200x64xf32, #tpu.memory_space<hbm>>
      %dma_start3A_180 = tpu.memref_squeeze %dma_start3A_179 : memref<1x200x64xf32, #tpu.memory_space<hbm>> -> memref<200x64xf32, #tpu.memory_space<hbm>>
      %dma_start3A_181 = arith.constant 0 : i32
      %dma_start3A_182 = arith.constant 0 : i32
      %dma_start3A_183 = tpu.memref_slice %arg5[%add3A_176, %dma_start3A_181, %dma_start3A_182] : memref<4096x200x128xf32, #tpu.memory_space<hbm>> -> memref<1x200x64xf32, #tpu.memory_space<hbm>>
      %dma_start3A_184 = tpu.memref_squeeze %dma_start3A_183 : memref<1x200x64xf32, #tpu.memory_space<hbm>> -> memref<200x64xf32, #tpu.memory_space<hbm>>
      tpu.enqueue_dma source(%arg6 : memref<200x64xf32, #tpu.memory_space<vmem>>) target(%dma_start3A_184 : memref<200x64xf32, #tpu.memory_space<hbm>>) target_semaphore(%arg19 : memref<!tpu.dma_semaphore, #tpu.memory_space<semaphore_mem>>)
      %mul3A_185 = arith.constant 3 : i32
      %mul3A_186 = arith.muli %scan3A_152, %mul3A_185 : i32
      %add3A_187 = arith.constant 1 : i32
      %add3A_188 = arith.addi %mul3A_186, %add3A_187 : i32
      %add3A_189 = arith.constant 2 : i32
      %add3A_190 = arith.addi %add3A_188, %add3A_189 : i32
      %lt3A_191 = arith.constant 128 : i32
      %lt3A_192 = arith.cmpi slt, %add3A_190, %lt3A_191 : i32
      %convert_element_type3A_193 = arith.extui %lt3A_192 : i1 to i32
      %cond3A_194 = arith.constant 0 : i32
      %cond3A_195 = arith.cmpi ne, %convert_element_type3A_193, %cond3A_194 : i32
      scf.if %cond3A_195 {
        %ge3A = arith.constant 1 : i32
        %ge3A_255 = arith.cmpi sge, %add3A_188, %ge3A : i32
        %convert_element_type3A_256 = arith.extui %ge3A_255 : i1 to i32
        %cond3A_257 = arith.constant 0 : i32
        %cond3A_258 = arith.cmpi ne, %convert_element_type3A_256, %cond3A_257 : i32
        scf.if %cond3A_258 {
          %dma_wait3A_286 = arith.constant 0 : i32
          %dma_wait3A_287 = arith.constant 0 : i32
          %dma_wait3A_288 = arith.constant 0 : i32
          %dma_wait3A_289 = tpu.memref_slice %arg5[%dma_wait3A_286, %dma_wait3A_287, %dma_wait3A_288] : memref<4096x200x128xf32, #tpu.memory_space<hbm>> -> memref<1x200x64xf32, #tpu.memory_space<hbm>>
          %dma_wait3A_290 = tpu.memref_squeeze %dma_wait3A_289 : memref<1x200x64xf32, #tpu.memory_space<hbm>> -> memref<200x64xf32, #tpu.memory_space<hbm>>
          %dma_wait3A_291 = arith.constant 0 : i32
          %dma_wait3A_292 = arith.constant 0 : i32
          %dma_wait3A_293 = tpu.memref_slice %arg5[%dma_wait3A_286, %dma_wait3A_291, %dma_wait3A_292] : memref<4096x200x128xf32, #tpu.memory_space<hbm>> -> memref<1x200x64xf32, #tpu.memory_space<hbm>>
          %dma_wait3A_294 = tpu.memref_squeeze %dma_wait3A_293 : memref<1x200x64xf32, #tpu.memory_space<hbm>> -> memref<200x64xf32, #tpu.memory_space<hbm>>
          tpu.wait_dma2 semaphore(%arg19 : memref<!tpu.dma_semaphore, #tpu.memory_space<semaphore_mem>>) src(%arg6 : memref<200x64xf32, #tpu.memory_space<vmem>>) dst(%dma_wait3A_294 : memref<200x64xf32, #tpu.memory_space<hbm>>)
        } else {
        }
        %dma_wait3A_259 = arith.constant 0 : i32
        %dma_wait3A_260 = tpu.memref_slice %arg9[%dma_wait3A_259] : memref<208xi32, #tpu.memory_space<vmem>> -> memref<200xi32, #tpu.memory_space<vmem>>
        %dma_wait3A_261 = arith.constant 0 : i32
        %dma_wait3A_262 = tpu.memref_slice %arg2[%dma_wait3A_261] : memref<819200xi32, #tpu.memory_space<hbm>> -> memref<200xi32, #tpu.memory_space<hbm>>
        %dma_wait3A_263 = arith.constant 0 : i32
        %dma_wait3A_264 = tpu.memref_slice %arg9[%dma_wait3A_263] : memref<208xi32, #tpu.memory_space<vmem>> -> memref<200xi32, #tpu.memory_space<vmem>>
        %dma_wait3A_265 = arith.constant 0 : i32
        %dma_wait3A_266 = tpu.memref_slice %arg2[%dma_wait3A_265] : memref<819200xi32, #tpu.memory_space<hbm>> -> memref<200xi32, #tpu.memory_space<hbm>>
        tpu.wait_dma2 semaphore(%arg13 : memref<!tpu.dma_semaphore, #tpu.memory_space<semaphore_mem>>) src(%dma_wait3A_266 : memref<200xi32, #tpu.memory_space<hbm>>) dst(%dma_wait3A_264 : memref<200xi32, #tpu.memory_space<vmem>>)
        %parallel_loop3A_267 = arith.constant 0 : i32
        %parallel_loop3A_268 = arith.constant 200 : i32
        %parallel_loop3A_269 = arith.constant 16 : i32
        scf.for %parallel_loop3A_286 = %parallel_loop3A_267 to %parallel_loop3A_268 step %parallel_loop3A_269  : i32 {
          %parallel_loop3A_287 = arith.index_cast %parallel_loop3A_286 : i32 to index
          %parallel_loop3A_288 = tpu.vector_load %arg9[%parallel_loop3A_287] {strides = array<i32>} : memref<208xi32, #tpu.memory_space<vmem>>, vector<16xi32>,
          %parallel_loop3A_289 = vector.shape_cast %parallel_loop3A_288 : vector<16xi32> to vector<16xi32>
          %parallel_loop3A_290 = arith.constant 2 : i32
          %parallel_loop3A_291 = vector.broadcast %parallel_loop3A_290 : i32 to vector<16xi32>
          %parallel_loop3A_292 = arith.muli %parallel_loop3A_289, %parallel_loop3A_291 : vector<16xi32>
          %parallel_loop3A_293 = arith.index_cast %parallel_loop3A_286 : i32 to index
          %parallel_loop3A_294 = tpu.vector_load %arg9[%parallel_loop3A_293] {strides = array<i32>} : memref<208xi32, #tpu.memory_space<vmem>>, vector<16xi32>,
          %parallel_loop3A_295 = vector.shape_cast %parallel_loop3A_294 : vector<16xi32> to vector<16xi32>
          %parallel_loop3A_296 = vector.shape_cast %parallel_loop3A_292 : vector<16xi32> to vector<16xi32>
          tpu.vector_store %arg9[%parallel_loop3A_293], %parallel_loop3A_296 {strides = array<i32>} : memref<208xi32, #tpu.memory_space<vmem>>, vector<16xi32>,
        } {sc.loop_unroll_factor = 1 : i64, sc.parallel_access}
        %dma_start3A_270 = arith.constant 0 : i32
        %dma_start3A_271 = arith.constant 0 : i32
        %dma_start3A_272 = tpu.memref_slice %arg6[%dma_start3A_270, %dma_start3A_271] : memref<200x64xf32, #tpu.memory_space<vmem>> -> memref<104x64xf32, #tpu.memory_space<vmem>>
        %dma_start3A_273 = arith.constant 0 : i32
        %dma_start3A_274 = tpu.memref_slice %arg9[%dma_start3A_273] : memref<208xi32, #tpu.memory_space<vmem>> -> memref<104xi32, #tpu.memory_space<vmem>>
        %dma_start3A_275 = arith.constant 0 : i32
        %dma_start3A_276 = arith.constant 0 : i32
        %dma_start3A_277 = tpu.memref_slice %arg3[%dma_start3A_275, %dma_start3A_276] : memref<2000000x64xf32, #tpu.memory_space<hbm>> -> memref<2000000x64xf32, #tpu.memory_space<hbm>>
        tpu.enqueue_indirect_dma source(%dma_start3A_277 : memref<2000000x64xf32, #tpu.memory_space<hbm>>) target(%dma_start3A_272 : memref<104x64xf32, #tpu.memory_space<vmem>>) offsets(%dma_start3A_274 : memref<104xi32, #tpu.memory_space<vmem>>) semaphore(%arg16 : memref<!tpu.dma_semaphore, #tpu.memory_space<semaphore_mem>>)
        %dma_start3A_278 = arith.constant 104 : i32
        %dma_start3A_279 = arith.constant 0 : i32
        %dma_start3A_280 = tpu.memref_slice %arg6[%dma_start3A_278, %dma_start3A_279] : memref<200x64xf32, #tpu.memory_space<vmem>> -> memref<96x64xf32, #tpu.memory_space<vmem>>
        %dma_start3A_281 = arith.constant 104 : i32
        %dma_start3A_282 = tpu.memref_slice %arg9[%dma_start3A_281] : memref<208xi32, #tpu.memory_space<vmem>> -> memref<96xi32, #tpu.memory_space<vmem>>
        %dma_start3A_283 = arith.constant 0 : i32
        %dma_start3A_284 = arith.constant 0 : i32
        %dma_start3A_285 = tpu.memref_slice %arg3[%dma_start3A_283, %dma_start3A_284] : memref<2000000x64xf32, #tpu.memory_space<hbm>> -> memref<2000000x64xf32, #tpu.memory_space<hbm>>
        tpu.enqueue_indirect_dma source(%dma_start3A_285 : memref<2000000x64xf32, #tpu.memory_space<hbm>>) target(%dma_start3A_280 : memref<96x64xf32, #tpu.memory_space<vmem>>) offsets(%dma_start3A_282 : memref<96xi32, #tpu.memory_space<vmem>>) semaphore(%arg16 : memref<!tpu.dma_semaphore, #tpu.memory_space<semaphore_mem>>)
      } else {
      }
      %dma_wait3A_196 = arith.constant 0 : i32
      %dma_wait3A_197 = tpu.memref_slice %arg10[%dma_wait3A_196] : memref<208xi32, #tpu.memory_space<vmem>> -> memref<200xi32, #tpu.memory_space<vmem>>
      %dma_wait3A_198 = arith.constant 0 : i32
      %dma_wait3A_199 = arith.constant 0 : i32
      %dma_wait3A_200 = tpu.memref_slice %arg3[%dma_wait3A_198, %dma_wait3A_199] : memref<2000000x64xf32, #tpu.memory_space<hbm>> -> memref<2000000x64xf32, #tpu.memory_space<hbm>>
      tpu.wait_indirect_dma semaphore(%arg17 : memref<!tpu.dma_semaphore, #tpu.memory_space<semaphore_mem>>) src(%dma_wait3A_200 : memref<2000000x64xf32, #tpu.memory_space<hbm>>) dst(%arg7 : memref<200x64xf32, #tpu.memory_space<vmem>>)
      %add3A_201 = arith.constant 3 : i32
      %add3A_202 = arith.addi %add3A_188, %add3A_201 : i32
      %lt3A_203 = arith.constant 128 : i32
      %lt3A_204 = arith.cmpi slt, %add3A_202, %lt3A_203 : i32
      %convert_element_type3A_205 = arith.extui %lt3A_204 : i1 to i32
      %cond3A_206 = arith.constant 0 : i32
      %cond3A_207 = arith.cmpi ne, %convert_element_type3A_205, %cond3A_206 : i32
      scf.if %cond3A_207 {
        %add3A_255 = arith.constant 3 : i32
        %add3A_256 = arith.addi %add3A_188, %add3A_255 : i32
        %add3A_257 = arith.addi %mul3A_2, %add3A_256 : i32
        %mul3A_258 = arith.constant 200 : i32
        %mul3A_259 = arith.muli %add3A_257, %mul3A_258 : i32
        %dma_start3A_260 = arith.constant 0 : i32
        %dma_start3A_261 = tpu.memref_slice %arg10[%dma_start3A_260] : memref<208xi32, #tpu.memory_space<vmem>> -> memref<200xi32, #tpu.memory_space<vmem>>
        %dma_start3A_262 = tpu.memref_slice %arg2[%mul3A_259] : memref<819200xi32, #tpu.memory_space<hbm>> -> memref<200xi32, #tpu.memory_space<hbm>>
        %dma_start3A_263 = arith.constant 0 : i32
        %dma_start3A_264 = tpu.memref_slice %arg10[%dma_start3A_263] : memref<208xi32, #tpu.memory_space<vmem>> -> memref<200xi32, #tpu.memory_space<vmem>>
        %dma_start3A_265 = tpu.memref_slice %arg2[%mul3A_259] : memref<819200xi32, #tpu.memory_space<hbm>> -> memref<200xi32, #tpu.memory_space<hbm>>
        tpu.enqueue_dma source(%dma_start3A_265 : memref<200xi32, #tpu.memory_space<hbm>>) target(%dma_start3A_264 : memref<200xi32, #tpu.memory_space<vmem>>) target_semaphore(%arg14 : memref<!tpu.dma_semaphore, #tpu.memory_space<semaphore_mem>>)
      } else {
      }
      %parallel_loop3A_208 = arith.constant 0 : i32
      %parallel_loop3A_209 = arith.constant 200 : i32
      %parallel_loop3A_210 = arith.constant 1 : i32
      scf.for %parallel_loop3A_255 = %parallel_loop3A_208 to %parallel_loop3A_209 step %parallel_loop3A_210  : i32 {
        %parallel_loop3A_256 = arith.index_cast %parallel_loop3A_255 : i32 to index
        %parallel_loop3A_257 = arith.constant 0 : index
        %parallel_loop3A_258 = tpu.vector_load %arg7[%parallel_loop3A_256, %parallel_loop3A_257] {strides = array<i32>} : memref<200x64xf32, #tpu.memory_space<vmem>>, vector<1x16xf32>,
        %parallel_loop3A_259 = vector.shape_cast %parallel_loop3A_258 : vector<1x16xf32> to vector<16xf32>
        %parallel_loop3A_260 = arith.index_cast %parallel_loop3A_255 : i32 to index
        %parallel_loop3A_261 = arith.constant 0 : index
        %parallel_loop3A_262 = tpu.vector_load %arg12[%parallel_loop3A_260, %parallel_loop3A_261] {strides = array<i32>} : memref<200x64xf32, #tpu.memory_space<vmem>>, vector<1x16xf32>,
        %parallel_loop3A_263 = vector.shape_cast %parallel_loop3A_262 : vector<1x16xf32> to vector<16xf32>
        %parallel_loop3A_264 = arith.addf %parallel_loop3A_259, %parallel_loop3A_263 : vector<16xf32>
        %parallel_loop3A_265 = arith.index_cast %parallel_loop3A_255 : i32 to index
        %parallel_loop3A_266 = arith.constant 0 : index
        %parallel_loop3A_267 = tpu.vector_load %arg7[%parallel_loop3A_265, %parallel_loop3A_266] {strides = array<i32>} : memref<200x64xf32, #tpu.memory_space<vmem>>, vector<1x16xf32>,
        %parallel_loop3A_268 = vector.shape_cast %parallel_loop3A_267 : vector<1x16xf32> to vector<16xf32>
        %parallel_loop3A_269 = vector.shape_cast %parallel_loop3A_264 : vector<16xf32> to vector<1x16xf32>
        tpu.vector_store %arg7[%parallel_loop3A_265, %parallel_loop3A_266], %parallel_loop3A_269 {strides = array<i32>} : memref<200x64xf32, #tpu.memory_space<vmem>>, vector<1x16xf32>,
        %parallel_loop3A_270 = arith.index_cast %parallel_loop3A_255 : i32 to index
        %parallel_loop3A_271 = arith.constant 16 : index
        %parallel_loop3A_272 = tpu.vector_load %arg7[%parallel_loop3A_270, %parallel_loop3A_271] {strides = array<i32>} : memref<200x64xf32, #tpu.memory_space<vmem>>, vector<1x16xf32>,
        %parallel_loop3A_273 = vector.shape_cast %parallel_loop3A_272 : vector<1x16xf32> to vector<16xf32>
        %parallel_loop3A_274 = arith.index_cast %parallel_loop3A_255 : i32 to index
        %parallel_loop3A_275 = arith.constant 16 : index
        %parallel_loop3A_276 = tpu.vector_load %arg12[%parallel_loop3A_274, %parallel_loop3A_275] {strides = array<i32>} : memref<200x64xf32, #tpu.memory_space<vmem>>, vector<1x16xf32>,
        %parallel_loop3A_277 = vector.shape_cast %parallel_loop3A_276 : vector<1x16xf32> to vector<16xf32>
        %parallel_loop3A_278 = arith.addf %parallel_loop3A_273, %parallel_loop3A_277 : vector<16xf32>
        %parallel_loop3A_279 = arith.index_cast %parallel_loop3A_255 : i32 to index
        %parallel_loop3A_280 = arith.constant 16 : index
        %parallel_loop3A_281 = tpu.vector_load %arg7[%parallel_loop3A_279, %parallel_loop3A_280] {strides = array<i32>} : memref<200x64xf32, #tpu.memory_space<vmem>>, vector<1x16xf32>,
        %parallel_loop3A_282 = vector.shape_cast %parallel_loop3A_281 : vector<1x16xf32> to vector<16xf32>
        %parallel_loop3A_283 = vector.shape_cast %parallel_loop3A_278 : vector<16xf32> to vector<1x16xf32>
        tpu.vector_store %arg7[%parallel_loop3A_279, %parallel_loop3A_280], %parallel_loop3A_283 {strides = array<i32>} : memref<200x64xf32, #tpu.memory_space<vmem>>, vector<1x16xf32>,
        %parallel_loop3A_284 = arith.index_cast %parallel_loop3A_255 : i32 to index
        %parallel_loop3A_285 = arith.constant 32 : index
        %parallel_loop3A_286 = tpu.vector_load %arg7[%parallel_loop3A_284, %parallel_loop3A_285] {strides = array<i32>} : memref<200x64xf32, #tpu.memory_space<vmem>>, vector<1x16xf32>,
        %parallel_loop3A_287 = vector.shape_cast %parallel_loop3A_286 : vector<1x16xf32> to vector<16xf32>
        %parallel_loop3A_288 = arith.index_cast %parallel_loop3A_255 : i32 to index
        %parallel_loop3A_289 = arith.constant 32 : index
        %parallel_loop3A_290 = tpu.vector_load %arg12[%parallel_loop3A_288, %parallel_loop3A_289] {strides = array<i32>} : memref<200x64xf32, #tpu.memory_space<vmem>>, vector<1x16xf32>,
        %parallel_loop3A_291 = vector.shape_cast %parallel_loop3A_290 : vector<1x16xf32> to vector<16xf32>
        %parallel_loop3A_292 = arith.addf %parallel_loop3A_287, %parallel_loop3A_291 : vector<16xf32>
        %parallel_loop3A_293 = arith.index_cast %parallel_loop3A_255 : i32 to index
        %parallel_loop3A_294 = arith.constant 32 : index
        %parallel_loop3A_295 = tpu.vector_load %arg7[%parallel_loop3A_293, %parallel_loop3A_294] {strides = array<i32>} : memref<200x64xf32, #tpu.memory_space<vmem>>, vector<1x16xf32>,
        %parallel_loop3A_296 = vector.shape_cast %parallel_loop3A_295 : vector<1x16xf32> to vector<16xf32>
        %parallel_loop3A_297 = vector.shape_cast %parallel_loop3A_292 : vector<16xf32> to vector<1x16xf32>
        tpu.vector_store %arg7[%parallel_loop3A_293, %parallel_loop3A_294], %parallel_loop3A_297 {strides = array<i32>} : memref<200x64xf32, #tpu.memory_space<vmem>>, vector<1x16xf32>,
        %parallel_loop3A_298 = arith.index_cast %parallel_loop3A_255 : i32 to index
        %parallel_loop3A_299 = arith.constant 48 : index
        %parallel_loop3A_300 = tpu.vector_load %arg7[%parallel_loop3A_298, %parallel_loop3A_299] {strides = array<i32>} : memref<200x64xf32, #tpu.memory_space<vmem>>, vector<1x16xf32>,
        %parallel_loop3A_301 = vector.shape_cast %parallel_loop3A_300 : vector<1x16xf32> to vector<16xf32>
        %parallel_loop3A_302 = arith.index_cast %parallel_loop3A_255 : i32 to index
        %parallel_loop3A_303 = arith.constant 48 : index
        %parallel_loop3A_304 = tpu.vector_load %arg12[%parallel_loop3A_302, %parallel_loop3A_303] {strides = array<i32>} : memref<200x64xf32, #tpu.memory_space<vmem>>, vector<1x16xf32>,
        %parallel_loop3A_305 = vector.shape_cast %parallel_loop3A_304 : vector<1x16xf32> to vector<16xf32>
        %parallel_loop3A_306 = arith.addf %parallel_loop3A_301, %parallel_loop3A_305 : vector<16xf32>
        %parallel_loop3A_307 = arith.index_cast %parallel_loop3A_255 : i32 to index
        %parallel_loop3A_308 = arith.constant 48 : index
        %parallel_loop3A_309 = tpu.vector_load %arg7[%parallel_loop3A_307, %parallel_loop3A_308] {strides = array<i32>} : memref<200x64xf32, #tpu.memory_space<vmem>>, vector<1x16xf32>,
        %parallel_loop3A_310 = vector.shape_cast %parallel_loop3A_309 : vector<1x16xf32> to vector<16xf32>
        %parallel_loop3A_311 = vector.shape_cast %parallel_loop3A_306 : vector<16xf32> to vector<1x16xf32>
        tpu.vector_store %arg7[%parallel_loop3A_307, %parallel_loop3A_308], %parallel_loop3A_311 {strides = array<i32>} : memref<200x64xf32, #tpu.memory_space<vmem>>, vector<1x16xf32>,
      } {sc.loop_unroll_factor = 4 : i64, sc.parallel_access}
      %add3A_211 = arith.addi %mul3A_2, %add3A_188 : i32
      %dma_start3A_212 = arith.constant 0 : i32
      %dma_start3A_213 = arith.constant 0 : i32
      %dma_start3A_214 = tpu.memref_slice %arg5[%add3A_211, %dma_start3A_212, %dma_start3A_213] : memref<4096x200x128xf32, #tpu.memory_space<hbm>> -> memref<1x200x64xf32, #tpu.memory_space<hbm>>
      %dma_start3A_215 = tpu.memref_squeeze %dma_start3A_214 : memref<1x200x64xf32, #tpu.memory_space<hbm>> -> memref<200x64xf32, #tpu.memory_space<hbm>>
      %dma_start3A_216 = arith.constant 0 : i32
      %dma_start3A_217 = arith.constant 0 : i32
      %dma_start3A_218 = tpu.memref_slice %arg5[%add3A_211, %dma_start3A_216, %dma_start3A_217] : memref<4096x200x128xf32, #tpu.memory_space<hbm>> -> memref<1x200x64xf32, #tpu.memory_space<hbm>>
      %dma_start3A_219 = tpu.memref_squeeze %dma_start3A_218 : memref<1x200x64xf32, #tpu.memory_space<hbm>> -> memref<200x64xf32, #tpu.memory_space<hbm>>
      tpu.enqueue_dma source(%arg7 : memref<200x64xf32, #tpu.memory_space<vmem>>) target(%dma_start3A_219 : memref<200x64xf32, #tpu.memory_space<hbm>>) target_semaphore(%arg20 : memref<!tpu.dma_semaphore, #tpu.memory_space<semaphore_mem>>)
      %mul3A_220 = arith.constant 3 : i32
      %mul3A_221 = arith.muli %scan3A_152, %mul3A_220 : i32
      %add3A_222 = arith.constant 2 : i32
      %add3A_223 = arith.addi %mul3A_221, %add3A_222 : i32
      %add3A_224 = arith.constant 2 : i32
      %add3A_225 = arith.addi %add3A_223, %add3A_224 : i32
      %lt3A_226 = arith.constant 128 : i32
      %lt3A_227 = arith.cmpi slt, %add3A_225, %lt3A_226 : i32
      %convert_element_type3A_228 = arith.extui %lt3A_227 : i1 to i32
      %cond3A_229 = arith.constant 0 : i32
      %cond3A_230 = arith.cmpi ne, %convert_element_type3A_228, %cond3A_229 : i32
      scf.if %cond3A_230 {
        %ge3A = arith.constant 1 : i32
        %ge3A_255 = arith.cmpi sge, %add3A_223, %ge3A : i32
        %convert_element_type3A_256 = arith.extui %ge3A_255 : i1 to i32
        %cond3A_257 = arith.constant 0 : i32
        %cond3A_258 = arith.cmpi ne, %convert_element_type3A_256, %cond3A_257 : i32
        scf.if %cond3A_258 {
          %dma_wait3A_286 = arith.constant 0 : i32
          %dma_wait3A_287 = arith.constant 0 : i32
          %dma_wait3A_288 = arith.constant 0 : i32
          %dma_wait3A_289 = tpu.memref_slice %arg5[%dma_wait3A_286, %dma_wait3A_287, %dma_wait3A_288] : memref<4096x200x128xf32, #tpu.memory_space<hbm>> -> memref<1x200x64xf32, #tpu.memory_space<hbm>>
          %dma_wait3A_290 = tpu.memref_squeeze %dma_wait3A_289 : memref<1x200x64xf32, #tpu.memory_space<hbm>> -> memref<200x64xf32, #tpu.memory_space<hbm>>
          %dma_wait3A_291 = arith.constant 0 : i32
          %dma_wait3A_292 = arith.constant 0 : i32
          %dma_wait3A_293 = tpu.memref_slice %arg5[%dma_wait3A_286, %dma_wait3A_291, %dma_wait3A_292] : memref<4096x200x128xf32, #tpu.memory_space<hbm>> -> memref<1x200x64xf32, #tpu.memory_space<hbm>>
          %dma_wait3A_294 = tpu.memref_squeeze %dma_wait3A_293 : memref<1x200x64xf32, #tpu.memory_space<hbm>> -> memref<200x64xf32, #tpu.memory_space<hbm>>
          tpu.wait_dma2 semaphore(%arg20 : memref<!tpu.dma_semaphore, #tpu.memory_space<semaphore_mem>>) src(%arg7 : memref<200x64xf32, #tpu.memory_space<vmem>>) dst(%dma_wait3A_294 : memref<200x64xf32, #tpu.memory_space<hbm>>)
        } else {
        }
        %dma_wait3A_259 = arith.constant 0 : i32
        %dma_wait3A_260 = tpu.memref_slice %arg10[%dma_wait3A_259] : memref<208xi32, #tpu.memory_space<vmem>> -> memref<200xi32, #tpu.memory_space<vmem>>
        %dma_wait3A_261 = arith.constant 0 : i32
        %dma_wait3A_262 = tpu.memref_slice %arg2[%dma_wait3A_261] : memref<819200xi32, #tpu.memory_space<hbm>> -> memref<200xi32, #tpu.memory_space<hbm>>
        %dma_wait3A_263 = arith.constant 0 : i32
        %dma_wait3A_264 = tpu.memref_slice %arg10[%dma_wait3A_263] : memref<208xi32, #tpu.memory_space<vmem>> -> memref<200xi32, #tpu.memory_space<vmem>>
        %dma_wait3A_265 = arith.constant 0 : i32
        %dma_wait3A_266 = tpu.memref_slice %arg2[%dma_wait3A_265] : memref<819200xi32, #tpu.memory_space<hbm>> -> memref<200xi32, #tpu.memory_space<hbm>>
        tpu.wait_dma2 semaphore(%arg14 : memref<!tpu.dma_semaphore, #tpu.memory_space<semaphore_mem>>) src(%dma_wait3A_266 : memref<200xi32, #tpu.memory_space<hbm>>) dst(%dma_wait3A_264 : memref<200xi32, #tpu.memory_space<vmem>>)
        %parallel_loop3A_267 = arith.constant 0 : i32
        %parallel_loop3A_268 = arith.constant 200 : i32
        %parallel_loop3A_269 = arith.constant 16 : i32
        scf.for %parallel_loop3A_286 = %parallel_loop3A_267 to %parallel_loop3A_268 step %parallel_loop3A_269  : i32 {
          %parallel_loop3A_287 = arith.index_cast %parallel_loop3A_286 : i32 to index
          %parallel_loop3A_288 = tpu.vector_load %arg10[%parallel_loop3A_287] {strides = array<i32>} : memref<208xi32, #tpu.memory_space<vmem>>, vector<16xi32>,
          %parallel_loop3A_289 = vector.shape_cast %parallel_loop3A_288 : vector<16xi32> to vector<16xi32>
          %parallel_loop3A_290 = arith.constant 2 : i32
          %parallel_loop3A_291 = vector.broadcast %parallel_loop3A_290 : i32 to vector<16xi32>
          %parallel_loop3A_292 = arith.muli %parallel_loop3A_289, %parallel_loop3A_291 : vector<16xi32>
          %parallel_loop3A_293 = arith.index_cast %parallel_loop3A_286 : i32 to index
          %parallel_loop3A_294 = tpu.vector_load %arg10[%parallel_loop3A_293] {strides = array<i32>} : memref<208xi32, #tpu.memory_space<vmem>>, vector<16xi32>,
          %parallel_loop3A_295 = vector.shape_cast %parallel_loop3A_294 : vector<16xi32> to vector<16xi32>
          %parallel_loop3A_296 = vector.shape_cast %parallel_loop3A_292 : vector<16xi32> to vector<16xi32>
          tpu.vector_store %arg10[%parallel_loop3A_293], %parallel_loop3A_296 {strides = array<i32>} : memref<208xi32, #tpu.memory_space<vmem>>, vector<16xi32>,
        } {sc.loop_unroll_factor = 1 : i64, sc.parallel_access}
        %dma_start3A_270 = arith.constant 0 : i32
        %dma_start3A_271 = arith.constant 0 : i32
        %dma_start3A_272 = tpu.memref_slice %arg7[%dma_start3A_270, %dma_start3A_271] : memref<200x64xf32, #tpu.memory_space<vmem>> -> memref<104x64xf32, #tpu.memory_space<vmem>>
        %dma_start3A_273 = arith.constant 0 : i32
        %dma_start3A_274 = tpu.memref_slice %arg10[%dma_start3A_273] : memref<208xi32, #tpu.memory_space<vmem>> -> memref<104xi32, #tpu.memory_space<vmem>>
        %dma_start3A_275 = arith.constant 0 : i32
        %dma_start3A_276 = arith.constant 0 : i32
        %dma_start3A_277 = tpu.memref_slice %arg3[%dma_start3A_275, %dma_start3A_276] : memref<2000000x64xf32, #tpu.memory_space<hbm>> -> memref<2000000x64xf32, #tpu.memory_space<hbm>>
        tpu.enqueue_indirect_dma source(%dma_start3A_277 : memref<2000000x64xf32, #tpu.memory_space<hbm>>) target(%dma_start3A_272 : memref<104x64xf32, #tpu.memory_space<vmem>>) offsets(%dma_start3A_274 : memref<104xi32, #tpu.memory_space<vmem>>) semaphore(%arg17 : memref<!tpu.dma_semaphore, #tpu.memory_space<semaphore_mem>>)
        %dma_start3A_278 = arith.constant 104 : i32
        %dma_start3A_279 = arith.constant 0 : i32
        %dma_start3A_280 = tpu.memref_slice %arg7[%dma_start3A_278, %dma_start3A_279] : memref<200x64xf32, #tpu.memory_space<vmem>> -> memref<96x64xf32, #tpu.memory_space<vmem>>
        %dma_start3A_281 = arith.constant 104 : i32
        %dma_start3A_282 = tpu.memref_slice %arg10[%dma_start3A_281] : memref<208xi32, #tpu.memory_space<vmem>> -> memref<96xi32, #tpu.memory_space<vmem>>
        %dma_start3A_283 = arith.constant 0 : i32
        %dma_start3A_284 = arith.constant 0 : i32
        %dma_start3A_285 = tpu.memref_slice %arg3[%dma_start3A_283, %dma_start3A_284] : memref<2000000x64xf32, #tpu.memory_space<hbm>> -> memref<2000000x64xf32, #tpu.memory_space<hbm>>
        tpu.enqueue_indirect_dma source(%dma_start3A_285 : memref<2000000x64xf32, #tpu.memory_space<hbm>>) target(%dma_start3A_280 : memref<96x64xf32, #tpu.memory_space<vmem>>) offsets(%dma_start3A_282 : memref<96xi32, #tpu.memory_space<vmem>>) semaphore(%arg17 : memref<!tpu.dma_semaphore, #tpu.memory_space<semaphore_mem>>)
      } else {
      }
      %dma_wait3A_231 = arith.constant 0 : i32
      %dma_wait3A_232 = tpu.memref_slice %arg11[%dma_wait3A_231] : memref<208xi32, #tpu.memory_space<vmem>> -> memref<200xi32, #tpu.memory_space<vmem>>
      %dma_wait3A_233 = arith.constant 0 : i32
      %dma_wait3A_234 = arith.constant 0 : i32
      %dma_wait3A_235 = tpu.memref_slice %arg3[%dma_wait3A_233, %dma_wait3A_234] : memref<2000000x64xf32, #tpu.memory_space<hbm>> -> memref<2000000x64xf32, #tpu.memory_space<hbm>>
      tpu.wait_indirect_dma semaphore(%arg18 : memref<!tpu.dma_semaphore, #tpu.memory_space<semaphore_mem>>) src(%dma_wait3A_235 : memref<2000000x64xf32, #tpu.memory_space<hbm>>) dst(%arg8 : memref<200x64xf32, #tpu.memory_space<vmem>>)
      %add3A_236 = arith.constant 3 : i32
      %add3A_237 = arith.addi %add3A_223, %add3A_236 : i32
      %lt3A_238 = arith.constant 128 : i32
      %lt3A_239 = arith.cmpi slt, %add3A_237, %lt3A_238 : i32
      %convert_element_type3A_240 = arith.extui %lt3A_239 : i1 to i32
      %cond3A_241 = arith.constant 0 : i32
      %cond3A_242 = arith.cmpi ne, %convert_element_type3A_240, %cond3A_241 : i32
      scf.if %cond3A_242 {
        %add3A_255 = arith.constant 3 : i32
        %add3A_256 = arith.addi %add3A_223, %add3A_255 : i32
        %add3A_257 = arith.addi %mul3A_2, %add3A_256 : i32
        %mul3A_258 = arith.constant 200 : i32
        %mul3A_259 = arith.muli %add3A_257, %mul3A_258 : i32
        %dma_start3A_260 = arith.constant 0 : i32
        %dma_start3A_261 = tpu.memref_slice %arg11[%dma_start3A_260] : memref<208xi32, #tpu.memory_space<vmem>> -> memref<200xi32, #tpu.memory_space<vmem>>
        %dma_start3A_262 = tpu.memref_slice %arg2[%mul3A_259] : memref<819200xi32, #tpu.memory_space<hbm>> -> memref<200xi32, #tpu.memory_space<hbm>>
        %dma_start3A_263 = arith.constant 0 : i32
        %dma_start3A_264 = tpu.memref_slice %arg11[%dma_start3A_263] : memref<208xi32, #tpu.memory_space<vmem>> -> memref<200xi32, #tpu.memory_space<vmem>>
        %dma_start3A_265 = tpu.memref_slice %arg2[%mul3A_259] : memref<819200xi32, #tpu.memory_space<hbm>> -> memref<200xi32, #tpu.memory_space<hbm>>
        tpu.enqueue_dma source(%dma_start3A_265 : memref<200xi32, #tpu.memory_space<hbm>>) target(%dma_start3A_264 : memref<200xi32, #tpu.memory_space<vmem>>) target_semaphore(%arg15 : memref<!tpu.dma_semaphore, #tpu.memory_space<semaphore_mem>>)
      } else {
      }
      %parallel_loop3A_243 = arith.constant 0 : i32
      %parallel_loop3A_244 = arith.constant 200 : i32
      %parallel_loop3A_245 = arith.constant 1 : i32
      scf.for %parallel_loop3A_255 = %parallel_loop3A_243 to %parallel_loop3A_244 step %parallel_loop3A_245  : i32 {
        %parallel_loop3A_256 = arith.index_cast %parallel_loop3A_255 : i32 to index
        %parallel_loop3A_257 = arith.constant 0 : index
        %parallel_loop3A_258 = tpu.vector_load %arg8[%parallel_loop3A_256, %parallel_loop3A_257] {strides = array<i32>} : memref<200x64xf32, #tpu.memory_space<vmem>>, vector<1x16xf32>,
        %parallel_loop3A_259 = vector.shape_cast %parallel_loop3A_258 : vector<1x16xf32> to vector<16xf32>
        %parallel_loop3A_260 = arith.index_cast %parallel_loop3A_255 : i32 to index
        %parallel_loop3A_261 = arith.constant 0 : index
        %parallel_loop3A_262 = tpu.vector_load %arg12[%parallel_loop3A_260, %parallel_loop3A_261] {strides = array<i32>} : memref<200x64xf32, #tpu.memory_space<vmem>>, vector<1x16xf32>,
        %parallel_loop3A_263 = vector.shape_cast %parallel_loop3A_262 : vector<1x16xf32> to vector<16xf32>
        %parallel_loop3A_264 = arith.addf %parallel_loop3A_259, %parallel_loop3A_263 : vector<16xf32>
        %parallel_loop3A_265 = arith.index_cast %parallel_loop3A_255 : i32 to index
        %parallel_loop3A_266 = arith.constant 0 : index
        %parallel_loop3A_267 = tpu.vector_load %arg8[%parallel_loop3A_265, %parallel_loop3A_266] {strides = array<i32>} : memref<200x64xf32, #tpu.memory_space<vmem>>, vector<1x16xf32>,
        %parallel_loop3A_268 = vector.shape_cast %parallel_loop3A_267 : vector<1x16xf32> to vector<16xf32>
        %parallel_loop3A_269 = vector.shape_cast %parallel_loop3A_264 : vector<16xf32> to vector<1x16xf32>
        tpu.vector_store %arg8[%parallel_loop3A_265, %parallel_loop3A_266], %parallel_loop3A_269 {strides = array<i32>} : memref<200x64xf32, #tpu.memory_space<vmem>>, vector<1x16xf32>,
        %parallel_loop3A_270 = arith.index_cast %parallel_loop3A_255 : i32 to index
        %parallel_loop3A_271 = arith.constant 16 : index
        %parallel_loop3A_272 = tpu.vector_load %arg8[%parallel_loop3A_270, %parallel_loop3A_271] {strides = array<i32>} : memref<200x64xf32, #tpu.memory_space<vmem>>, vector<1x16xf32>,
        %parallel_loop3A_273 = vector.shape_cast %parallel_loop3A_272 : vector<1x16xf32> to vector<16xf32>
        %parallel_loop3A_274 = arith.index_cast %parallel_loop3A_255 : i32 to index
        %parallel_loop3A_275 = arith.constant 16 : index
        %parallel_loop3A_276 = tpu.vector_load %arg12[%parallel_loop3A_274, %parallel_loop3A_275] {strides = array<i32>} : memref<200x64xf32, #tpu.memory_space<vmem>>, vector<1x16xf32>,
        %parallel_loop3A_277 = vector.shape_cast %parallel_loop3A_276 : vector<1x16xf32> to vector<16xf32>
        %parallel_loop3A_278 = arith.addf %parallel_loop3A_273, %parallel_loop3A_277 : vector<16xf32>
        %parallel_loop3A_279 = arith.index_cast %parallel_loop3A_255 : i32 to index
        %parallel_loop3A_280 = arith.constant 16 : index
        %parallel_loop3A_281 = tpu.vector_load %arg8[%parallel_loop3A_279, %parallel_loop3A_280] {strides = array<i32>} : memref<200x64xf32, #tpu.memory_space<vmem>>, vector<1x16xf32>,
        %parallel_loop3A_282 = vector.shape_cast %parallel_loop3A_281 : vector<1x16xf32> to vector<16xf32>
        %parallel_loop3A_283 = vector.shape_cast %parallel_loop3A_278 : vector<16xf32> to vector<1x16xf32>
        tpu.vector_store %arg8[%parallel_loop3A_279, %parallel_loop3A_280], %parallel_loop3A_283 {strides = array<i32>} : memref<200x64xf32, #tpu.memory_space<vmem>>, vector<1x16xf32>,
        %parallel_loop3A_284 = arith.index_cast %parallel_loop3A_255 : i32 to index
        %parallel_loop3A_285 = arith.constant 32 : index
        %parallel_loop3A_286 = tpu.vector_load %arg8[%parallel_loop3A_284, %parallel_loop3A_285] {strides = array<i32>} : memref<200x64xf32, #tpu.memory_space<vmem>>, vector<1x16xf32>,
        %parallel_loop3A_287 = vector.shape_cast %parallel_loop3A_286 : vector<1x16xf32> to vector<16xf32>
        %parallel_loop3A_288 = arith.index_cast %parallel_loop3A_255 : i32 to index
        %parallel_loop3A_289 = arith.constant 32 : index
        %parallel_loop3A_290 = tpu.vector_load %arg12[%parallel_loop3A_288, %parallel_loop3A_289] {strides = array<i32>} : memref<200x64xf32, #tpu.memory_space<vmem>>, vector<1x16xf32>,
        %parallel_loop3A_291 = vector.shape_cast %parallel_loop3A_290 : vector<1x16xf32> to vector<16xf32>
        %parallel_loop3A_292 = arith.addf %parallel_loop3A_287, %parallel_loop3A_291 : vector<16xf32>
        %parallel_loop3A_293 = arith.index_cast %parallel_loop3A_255 : i32 to index
        %parallel_loop3A_294 = arith.constant 32 : index
        %parallel_loop3A_295 = tpu.vector_load %arg8[%parallel_loop3A_293, %parallel_loop3A_294] {strides = array<i32>} : memref<200x64xf32, #tpu.memory_space<vmem>>, vector<1x16xf32>,
        %parallel_loop3A_296 = vector.shape_cast %parallel_loop3A_295 : vector<1x16xf32> to vector<16xf32>
        %parallel_loop3A_297 = vector.shape_cast %parallel_loop3A_292 : vector<16xf32> to vector<1x16xf32>
        tpu.vector_store %arg8[%parallel_loop3A_293, %parallel_loop3A_294], %parallel_loop3A_297 {strides = array<i32>} : memref<200x64xf32, #tpu.memory_space<vmem>>, vector<1x16xf32>,
        %parallel_loop3A_298 = arith.index_cast %parallel_loop3A_255 : i32 to index
        %parallel_loop3A_299 = arith.constant 48 : index
        %parallel_loop3A_300 = tpu.vector_load %arg8[%parallel_loop3A_298, %parallel_loop3A_299] {strides = array<i32>} : memref<200x64xf32, #tpu.memory_space<vmem>>, vector<1x16xf32>,
        %parallel_loop3A_301 = vector.shape_cast %parallel_loop3A_300 : vector<1x16xf32> to vector<16xf32>
        %parallel_loop3A_302 = arith.index_cast %parallel_loop3A_255 : i32 to index
        %parallel_loop3A_303 = arith.constant 48 : index
        %parallel_loop3A_304 = tpu.vector_load %arg12[%parallel_loop3A_302, %parallel_loop3A_303] {strides = array<i32>} : memref<200x64xf32, #tpu.memory_space<vmem>>, vector<1x16xf32>,
        %parallel_loop3A_305 = vector.shape_cast %parallel_loop3A_304 : vector<1x16xf32> to vector<16xf32>
        %parallel_loop3A_306 = arith.addf %parallel_loop3A_301, %parallel_loop3A_305 : vector<16xf32>
        %parallel_loop3A_307 = arith.index_cast %parallel_loop3A_255 : i32 to index
        %parallel_loop3A_308 = arith.constant 48 : index
        %parallel_loop3A_309 = tpu.vector_load %arg8[%parallel_loop3A_307, %parallel_loop3A_308] {strides = array<i32>} : memref<200x64xf32, #tpu.memory_space<vmem>>, vector<1x16xf32>,
        %parallel_loop3A_310 = vector.shape_cast %parallel_loop3A_309 : vector<1x16xf32> to vector<16xf32>
        %parallel_loop3A_311 = vector.shape_cast %parallel_loop3A_306 : vector<16xf32> to vector<1x16xf32>
        tpu.vector_store %arg8[%parallel_loop3A_307, %parallel_loop3A_308], %parallel_loop3A_311 {strides = array<i32>} : memref<200x64xf32, #tpu.memory_space<vmem>>, vector<1x16xf32>,
      } {sc.loop_unroll_factor = 4 : i64, sc.parallel_access}
      %add3A_246 = arith.addi %mul3A_2, %add3A_223 : i32
      %dma_start3A_247 = arith.constant 0 : i32
      %dma_start3A_248 = arith.constant 0 : i32
      %dma_start3A_249 = tpu.memref_slice %arg5[%add3A_246, %dma_start3A_247, %dma_start3A_248] : memref<4096x200x128xf32, #tpu.memory_space<hbm>> -> memref<1x200x64xf32, #tpu.memory_space<hbm>>
      %dma_start3A_250 = tpu.memref_squeeze %dma_start3A_249 : memref<1x200x64xf32, #tpu.memory_space<hbm>> -> memref<200x64xf32, #tpu.memory_space<hbm>>
      %dma_start3A_251 = arith.constant 0 : i32
      %dma_start3A_252 = arith.constant 0 : i32
      %dma_start3A_253 = tpu.memref_slice %arg5[%add3A_246, %dma_start3A_251, %dma_start3A_252] : memref<4096x200x128xf32, #tpu.memory_space<hbm>> -> memref<1x200x64xf32, #tpu.memory_space<hbm>>
      %dma_start3A_254 = tpu.memref_squeeze %dma_start3A_253 : memref<1x200x64xf32, #tpu.memory_space<hbm>> -> memref<200x64xf32, #tpu.memory_space<hbm>>
      tpu.enqueue_dma source(%arg8 : memref<200x64xf32, #tpu.memory_space<vmem>>) target(%dma_start3A_254 : memref<200x64xf32, #tpu.memory_space<hbm>>) target_semaphore(%arg21 : memref<!tpu.dma_semaphore, #tpu.memory_space<semaphore_mem>>)
    }
    %scan3A_88 = arith.constant 42 : i32
    %dma_wait3A_89 = arith.constant 0 : i32
    %dma_wait3A_90 = tpu.memref_slice %arg9[%dma_wait3A_89] : memref<208xi32, #tpu.memory_space<vmem>> -> memref<200xi32, #tpu.memory_space<vmem>>
    %dma_wait3A_91 = arith.constant 0 : i32
    %dma_wait3A_92 = arith.constant 0 : i32
    %dma_wait3A_93 = tpu.memref_slice %arg3[%dma_wait3A_91, %dma_wait3A_92] : memref<2000000x64xf32, #tpu.memory_space<hbm>> -> memref<2000000x64xf32, #tpu.memory_space<hbm>>
    tpu.wait_indirect_dma semaphore(%arg16 : memref<!tpu.dma_semaphore, #tpu.memory_space<semaphore_mem>>) src(%dma_wait3A_93 : memref<2000000x64xf32, #tpu.memory_space<hbm>>) dst(%arg6 : memref<200x64xf32, #tpu.memory_space<vmem>>)
    %parallel_loop3A_94 = arith.constant 0 : i32
    %parallel_loop3A_95 = arith.constant 200 : i32
    %parallel_loop3A_96 = arith.constant 1 : i32
    scf.for %parallel_loop3A_152 = %parallel_loop3A_94 to %parallel_loop3A_95 step %parallel_loop3A_96  : i32 {
      %parallel_loop3A_153 = arith.index_cast %parallel_loop3A_152 : i32 to index
      %parallel_loop3A_154 = arith.constant 0 : index
      %parallel_loop3A_155 = tpu.vector_load %arg6[%parallel_loop3A_153, %parallel_loop3A_154] {strides = array<i32>} : memref<200x64xf32, #tpu.memory_space<vmem>>, vector<1x16xf32>,
      %parallel_loop3A_156 = vector.shape_cast %parallel_loop3A_155 : vector<1x16xf32> to vector<16xf32>
      %parallel_loop3A_157 = arith.index_cast %parallel_loop3A_152 : i32 to index
      %parallel_loop3A_158 = arith.constant 0 : index
      %parallel_loop3A_159 = tpu.vector_load %arg12[%parallel_loop3A_157, %parallel_loop3A_158] {strides = array<i32>} : memref<200x64xf32, #tpu.memory_space<vmem>>, vector<1x16xf32>,
      %parallel_loop3A_160 = vector.shape_cast %parallel_loop3A_159 : vector<1x16xf32> to vector<16xf32>
      %parallel_loop3A_161 = arith.addf %parallel_loop3A_156, %parallel_loop3A_160 : vector<16xf32>
      %parallel_loop3A_162 = arith.index_cast %parallel_loop3A_152 : i32 to index
      %parallel_loop3A_163 = arith.constant 0 : index
      %parallel_loop3A_164 = tpu.vector_load %arg6[%parallel_loop3A_162, %parallel_loop3A_163] {strides = array<i32>} : memref<200x64xf32, #tpu.memory_space<vmem>>, vector<1x16xf32>,
      %parallel_loop3A_165 = vector.shape_cast %parallel_loop3A_164 : vector<1x16xf32> to vector<16xf32>
      %parallel_loop3A_166 = vector.shape_cast %parallel_loop3A_161 : vector<16xf32> to vector<1x16xf32>
      tpu.vector_store %arg6[%parallel_loop3A_162, %parallel_loop3A_163], %parallel_loop3A_166 {strides = array<i32>} : memref<200x64xf32, #tpu.memory_space<vmem>>, vector<1x16xf32>,
      %parallel_loop3A_167 = arith.index_cast %parallel_loop3A_152 : i32 to index
      %parallel_loop3A_168 = arith.constant 16 : index
      %parallel_loop3A_169 = tpu.vector_load %arg6[%parallel_loop3A_167, %parallel_loop3A_168] {strides = array<i32>} : memref<200x64xf32, #tpu.memory_space<vmem>>, vector<1x16xf32>,
      %parallel_loop3A_170 = vector.shape_cast %parallel_loop3A_169 : vector<1x16xf32> to vector<16xf32>
      %parallel_loop3A_171 = arith.index_cast %parallel_loop3A_152 : i32 to index
      %parallel_loop3A_172 = arith.constant 16 : index
      %parallel_loop3A_173 = tpu.vector_load %arg12[%parallel_loop3A_171, %parallel_loop3A_172] {strides = array<i32>} : memref<200x64xf32, #tpu.memory_space<vmem>>, vector<1x16xf32>,
      %parallel_loop3A_174 = vector.shape_cast %parallel_loop3A_173 : vector<1x16xf32> to vector<16xf32>
      %parallel_loop3A_175 = arith.addf %parallel_loop3A_170, %parallel_loop3A_174 : vector<16xf32>
      %parallel_loop3A_176 = arith.index_cast %parallel_loop3A_152 : i32 to index
      %parallel_loop3A_177 = arith.constant 16 : index
      %parallel_loop3A_178 = tpu.vector_load %arg6[%parallel_loop3A_176, %parallel_loop3A_177] {strides = array<i32>} : memref<200x64xf32, #tpu.memory_space<vmem>>, vector<1x16xf32>,
      %parallel_loop3A_179 = vector.shape_cast %parallel_loop3A_178 : vector<1x16xf32> to vector<16xf32>
      %parallel_loop3A_180 = vector.shape_cast %parallel_loop3A_175 : vector<16xf32> to vector<1x16xf32>
      tpu.vector_store %arg6[%parallel_loop3A_176, %parallel_loop3A_177], %parallel_loop3A_180 {strides = array<i32>} : memref<200x64xf32, #tpu.memory_space<vmem>>, vector<1x16xf32>,
      %parallel_loop3A_181 = arith.index_cast %parallel_loop3A_152 : i32 to index
      %parallel_loop3A_182 = arith.constant 32 : index
      %parallel_loop3A_183 = tpu.vector_load %arg6[%parallel_loop3A_181, %parallel_loop3A_182] {strides = array<i32>} : memref<200x64xf32, #tpu.memory_space<vmem>>, vector<1x16xf32>,
      %parallel_loop3A_184 = vector.shape_cast %parallel_loop3A_183 : vector<1x16xf32> to vector<16xf32>
      %parallel_loop3A_185 = arith.index_cast %parallel_loop3A_152 : i32 to index
      %parallel_loop3A_186 = arith.constant 32 : index
      %parallel_loop3A_187 = tpu.vector_load %arg12[%parallel_loop3A_185, %parallel_loop3A_186] {strides = array<i32>} : memref<200x64xf32, #tpu.memory_space<vmem>>, vector<1x16xf32>,
      %parallel_loop3A_188 = vector.shape_cast %parallel_loop3A_187 : vector<1x16xf32> to vector<16xf32>
      %parallel_loop3A_189 = arith.addf %parallel_loop3A_184, %parallel_loop3A_188 : vector<16xf32>
      %parallel_loop3A_190 = arith.index_cast %parallel_loop3A_152 : i32 to index
      %parallel_loop3A_191 = arith.constant 32 : index
      %parallel_loop3A_192 = tpu.vector_load %arg6[%parallel_loop3A_190, %parallel_loop3A_191] {strides = array<i32>} : memref<200x64xf32, #tpu.memory_space<vmem>>, vector<1x16xf32>,
      %parallel_loop3A_193 = vector.shape_cast %parallel_loop3A_192 : vector<1x16xf32> to vector<16xf32>
      %parallel_loop3A_194 = vector.shape_cast %parallel_loop3A_189 : vector<16xf32> to vector<1x16xf32>
      tpu.vector_store %arg6[%parallel_loop3A_190, %parallel_loop3A_191], %parallel_loop3A_194 {strides = array<i32>} : memref<200x64xf32, #tpu.memory_space<vmem>>, vector<1x16xf32>,
      %parallel_loop3A_195 = arith.index_cast %parallel_loop3A_152 : i32 to index
      %parallel_loop3A_196 = arith.constant 48 : index
      %parallel_loop3A_197 = tpu.vector_load %arg6[%parallel_loop3A_195, %parallel_loop3A_196] {strides = array<i32>} : memref<200x64xf32, #tpu.memory_space<vmem>>, vector<1x16xf32>,
      %parallel_loop3A_198 = vector.shape_cast %parallel_loop3A_197 : vector<1x16xf32> to vector<16xf32>
      %parallel_loop3A_199 = arith.index_cast %parallel_loop3A_152 : i32 to index
      %parallel_loop3A_200 = arith.constant 48 : index
      %parallel_loop3A_201 = tpu.vector_load %arg12[%parallel_loop3A_199, %parallel_loop3A_200] {strides = array<i32>} : memref<200x64xf32, #tpu.memory_space<vmem>>, vector<1x16xf32>,
      %parallel_loop3A_202 = vector.shape_cast %parallel_loop3A_201 : vector<1x16xf32> to vector<16xf32>
      %parallel_loop3A_203 = arith.addf %parallel_loop3A_198, %parallel_loop3A_202 : vector<16xf32>
      %parallel_loop3A_204 = arith.index_cast %parallel_loop3A_152 : i32 to index
      %parallel_loop3A_205 = arith.constant 48 : index
      %parallel_loop3A_206 = tpu.vector_load %arg6[%parallel_loop3A_204, %parallel_loop3A_205] {strides = array<i32>} : memref<200x64xf32, #tpu.memory_space<vmem>>, vector<1x16xf32>,
      %parallel_loop3A_207 = vector.shape_cast %parallel_loop3A_206 : vector<1x16xf32> to vector<16xf32>
      %parallel_loop3A_208 = vector.shape_cast %parallel_loop3A_203 : vector<16xf32> to vector<1x16xf32>
      tpu.vector_store %arg6[%parallel_loop3A_204, %parallel_loop3A_205], %parallel_loop3A_208 {strides = array<i32>} : memref<200x64xf32, #tpu.memory_space<vmem>>, vector<1x16xf32>,
    } {sc.loop_unroll_factor = 4 : i64, sc.parallel_access}
    %add3A_97 = arith.constant 126 : i32
    %add3A_98 = arith.addi %mul3A_2, %add3A_97 : i32
    %dma_start3A_99 = arith.constant 0 : i32
    %dma_start3A_100 = arith.constant 0 : i32
    %dma_start3A_101 = tpu.memref_slice %arg5[%add3A_98, %dma_start3A_99, %dma_start3A_100] : memref<4096x200x128xf32, #tpu.memory_space<hbm>> -> memref<1x200x64xf32, #tpu.memory_space<hbm>>
    %dma_start3A_102 = tpu.memref_squeeze %dma_start3A_101 : memref<1x200x64xf32, #tpu.memory_space<hbm>> -> memref<200x64xf32, #tpu.memory_space<hbm>>
    %dma_start3A_103 = arith.constant 0 : i32
    %dma_start3A_104 = arith.constant 0 : i32
    %dma_start3A_105 = tpu.memref_slice %arg5[%add3A_98, %dma_start3A_103, %dma_start3A_104] : memref<4096x200x128xf32, #tpu.memory_space<hbm>> -> memref<1x200x64xf32, #tpu.memory_space<hbm>>
    %dma_start3A_106 = tpu.memref_squeeze %dma_start3A_105 : memref<1x200x64xf32, #tpu.memory_space<hbm>> -> memref<200x64xf32, #tpu.memory_space<hbm>>
    tpu.enqueue_dma source(%arg6 : memref<200x64xf32, #tpu.memory_space<vmem>>) target(%dma_start3A_106 : memref<200x64xf32, #tpu.memory_space<hbm>>) target_semaphore(%arg19 : memref<!tpu.dma_semaphore, #tpu.memory_space<semaphore_mem>>)
    %dma_wait3A_107 = arith.constant 0 : i32
    %dma_wait3A_108 = tpu.memref_slice %arg10[%dma_wait3A_107] : memref<208xi32, #tpu.memory_space<vmem>> -> memref<200xi32, #tpu.memory_space<vmem>>
    %dma_wait3A_109 = arith.constant 0 : i32
    %dma_wait3A_110 = arith.constant 0 : i32
    %dma_wait3A_111 = tpu.memref_slice %arg3[%dma_wait3A_109, %dma_wait3A_110] : memref<2000000x64xf32, #tpu.memory_space<hbm>> -> memref<2000000x64xf32, #tpu.memory_space<hbm>>
    tpu.wait_indirect_dma semaphore(%arg17 : memref<!tpu.dma_semaphore, #tpu.memory_space<semaphore_mem>>) src(%dma_wait3A_111 : memref<2000000x64xf32, #tpu.memory_space<hbm>>) dst(%arg7 : memref<200x64xf32, #tpu.memory_space<vmem>>)
    %parallel_loop3A_112 = arith.constant 0 : i32
    %parallel_loop3A_113 = arith.constant 200 : i32
    %parallel_loop3A_114 = arith.constant 1 : i32
    scf.for %parallel_loop3A_152 = %parallel_loop3A_112 to %parallel_loop3A_113 step %parallel_loop3A_114  : i32 {
      %parallel_loop3A_153 = arith.index_cast %parallel_loop3A_152 : i32 to index
      %parallel_loop3A_154 = arith.constant 0 : index
      %parallel_loop3A_155 = tpu.vector_load %arg7[%parallel_loop3A_153, %parallel_loop3A_154] {strides = array<i32>} : memref<200x64xf32, #tpu.memory_space<vmem>>, vector<1x16xf32>,
      %parallel_loop3A_156 = vector.shape_cast %parallel_loop3A_155 : vector<1x16xf32> to vector<16xf32>
      %parallel_loop3A_157 = arith.index_cast %parallel_loop3A_152 : i32 to index
      %parallel_loop3A_158 = arith.constant 0 : index
      %parallel_loop3A_159 = tpu.vector_load %arg12[%parallel_loop3A_157, %parallel_loop3A_158] {strides = array<i32>} : memref<200x64xf32, #tpu.memory_space<vmem>>, vector<1x16xf32>,
      %parallel_loop3A_160 = vector.shape_cast %parallel_loop3A_159 : vector<1x16xf32> to vector<16xf32>
      %parallel_loop3A_161 = arith.addf %parallel_loop3A_156, %parallel_loop3A_160 : vector<16xf32>
      %parallel_loop3A_162 = arith.index_cast %parallel_loop3A_152 : i32 to index
      %parallel_loop3A_163 = arith.constant 0 : index
      %parallel_loop3A_164 = tpu.vector_load %arg7[%parallel_loop3A_162, %parallel_loop3A_163] {strides = array<i32>} : memref<200x64xf32, #tpu.memory_space<vmem>>, vector<1x16xf32>,
      %parallel_loop3A_165 = vector.shape_cast %parallel_loop3A_164 : vector<1x16xf32> to vector<16xf32>
      %parallel_loop3A_166 = vector.shape_cast %parallel_loop3A_161 : vector<16xf32> to vector<1x16xf32>
      tpu.vector_store %arg7[%parallel_loop3A_162, %parallel_loop3A_163], %parallel_loop3A_166 {strides = array<i32>} : memref<200x64xf32, #tpu.memory_space<vmem>>, vector<1x16xf32>,
      %parallel_loop3A_167 = arith.index_cast %parallel_loop3A_152 : i32 to index
      %parallel_loop3A_168 = arith.constant 16 : index
      %parallel_loop3A_169 = tpu.vector_load %arg7[%parallel_loop3A_167, %parallel_loop3A_168] {strides = array<i32>} : memref<200x64xf32, #tpu.memory_space<vmem>>, vector<1x16xf32>,
      %parallel_loop3A_170 = vector.shape_cast %parallel_loop3A_169 : vector<1x16xf32> to vector<16xf32>
      %parallel_loop3A_171 = arith.index_cast %parallel_loop3A_152 : i32 to index
      %parallel_loop3A_172 = arith.constant 16 : index
      %parallel_loop3A_173 = tpu.vector_load %arg12[%parallel_loop3A_171, %parallel_loop3A_172] {strides = array<i32>} : memref<200x64xf32, #tpu.memory_space<vmem>>, vector<1x16xf32>,
      %parallel_loop3A_174 = vector.shape_cast %parallel_loop3A_173 : vector<1x16xf32> to vector<16xf32>
      %parallel_loop3A_175 = arith.addf %parallel_loop3A_170, %parallel_loop3A_174 : vector<16xf32>
      %parallel_loop3A_176 = arith.index_cast %parallel_loop3A_152 : i32 to index
      %parallel_loop3A_177 = arith.constant 16 : index
      %parallel_loop3A_178 = tpu.vector_load %arg7[%parallel_loop3A_176, %parallel_loop3A_177] {strides = array<i32>} : memref<200x64xf32, #tpu.memory_space<vmem>>, vector<1x16xf32>,
      %parallel_loop3A_179 = vector.shape_cast %parallel_loop3A_178 : vector<1x16xf32> to vector<16xf32>
      %parallel_loop3A_180 = vector.shape_cast %parallel_loop3A_175 : vector<16xf32> to vector<1x16xf32>
      tpu.vector_store %arg7[%parallel_loop3A_176, %parallel_loop3A_177], %parallel_loop3A_180 {strides = array<i32>} : memref<200x64xf32, #tpu.memory_space<vmem>>, vector<1x16xf32>,
      %parallel_loop3A_181 = arith.index_cast %parallel_loop3A_152 : i32 to index
      %parallel_loop3A_182 = arith.constant 32 : index
      %parallel_loop3A_183 = tpu.vector_load %arg7[%parallel_loop3A_181, %parallel_loop3A_182] {strides = array<i32>} : memref<200x64xf32, #tpu.memory_space<vmem>>, vector<1x16xf32>,
      %parallel_loop3A_184 = vector.shape_cast %parallel_loop3A_183 : vector<1x16xf32> to vector<16xf32>
      %parallel_loop3A_185 = arith.index_cast %parallel_loop3A_152 : i32 to index
      %parallel_loop3A_186 = arith.constant 32 : index
      %parallel_loop3A_187 = tpu.vector_load %arg12[%parallel_loop3A_185, %parallel_loop3A_186] {strides = array<i32>} : memref<200x64xf32, #tpu.memory_space<vmem>>, vector<1x16xf32>,
      %parallel_loop3A_188 = vector.shape_cast %parallel_loop3A_187 : vector<1x16xf32> to vector<16xf32>
      %parallel_loop3A_189 = arith.addf %parallel_loop3A_184, %parallel_loop3A_188 : vector<16xf32>
      %parallel_loop3A_190 = arith.index_cast %parallel_loop3A_152 : i32 to index
      %parallel_loop3A_191 = arith.constant 32 : index
      %parallel_loop3A_192 = tpu.vector_load %arg7[%parallel_loop3A_190, %parallel_loop3A_191] {strides = array<i32>} : memref<200x64xf32, #tpu.memory_space<vmem>>, vector<1x16xf32>,
      %parallel_loop3A_193 = vector.shape_cast %parallel_loop3A_192 : vector<1x16xf32> to vector<16xf32>
      %parallel_loop3A_194 = vector.shape_cast %parallel_loop3A_189 : vector<16xf32> to vector<1x16xf32>
      tpu.vector_store %arg7[%parallel_loop3A_190, %parallel_loop3A_191], %parallel_loop3A_194 {strides = array<i32>} : memref<200x64xf32, #tpu.memory_space<vmem>>, vector<1x16xf32>,
      %parallel_loop3A_195 = arith.index_cast %parallel_loop3A_152 : i32 to index
      %parallel_loop3A_196 = arith.constant 48 : index
      %parallel_loop3A_197 = tpu.vector_load %arg7[%parallel_loop3A_195, %parallel_loop3A_196] {strides = array<i32>} : memref<200x64xf32, #tpu.memory_space<vmem>>, vector<1x16xf32>,
      %parallel_loop3A_198 = vector.shape_cast %parallel_loop3A_197 : vector<1x16xf32> to vector<16xf32>
      %parallel_loop3A_199 = arith.index_cast %parallel_loop3A_152 : i32 to index
      %parallel_loop3A_200 = arith.constant 48 : index
      %parallel_loop3A_201 = tpu.vector_load %arg12[%parallel_loop3A_199, %parallel_loop3A_200] {strides = array<i32>} : memref<200x64xf32, #tpu.memory_space<vmem>>, vector<1x16xf32>,
      %parallel_loop3A_202 = vector.shape_cast %parallel_loop3A_201 : vector<1x16xf32> to vector<16xf32>
      %parallel_loop3A_203 = arith.addf %parallel_loop3A_198, %parallel_loop3A_202 : vector<16xf32>
      %parallel_loop3A_204 = arith.index_cast %parallel_loop3A_152 : i32 to index
      %parallel_loop3A_205 = arith.constant 48 : index
      %parallel_loop3A_206 = tpu.vector_load %arg7[%parallel_loop3A_204, %parallel_loop3A_205] {strides = array<i32>} : memref<200x64xf32, #tpu.memory_space<vmem>>, vector<1x16xf32>,
      %parallel_loop3A_207 = vector.shape_cast %parallel_loop3A_206 : vector<1x16xf32> to vector<16xf32>
      %parallel_loop3A_208 = vector.shape_cast %parallel_loop3A_203 : vector<16xf32> to vector<1x16xf32>
      tpu.vector_store %arg7[%parallel_loop3A_204, %parallel_loop3A_205], %parallel_loop3A_208 {strides = array<i32>} : memref<200x64xf32, #tpu.memory_space<vmem>>, vector<1x16xf32>,
    } {sc.loop_unroll_factor = 4 : i64, sc.parallel_access}
    %add3A_115 = arith.constant 127 : i32
    %add3A_116 = arith.addi %mul3A_2, %add3A_115 : i32
    %dma_start3A_117 = arith.constant 0 : i32
    %dma_start3A_118 = arith.constant 0 : i32
    %dma_start3A_119 = tpu.memref_slice %arg5[%add3A_116, %dma_start3A_117, %dma_start3A_118] : memref<4096x200x128xf32, #tpu.memory_space<hbm>> -> memref<1x200x64xf32, #tpu.memory_space<hbm>>
    %dma_start3A_120 = tpu.memref_squeeze %dma_start3A_119 : memref<1x200x64xf32, #tpu.memory_space<hbm>> -> memref<200x64xf32, #tpu.memory_space<hbm>>
    %dma_start3A_121 = arith.constant 0 : i32
    %dma_start3A_122 = arith.constant 0 : i32
    %dma_start3A_123 = tpu.memref_slice %arg5[%add3A_116, %dma_start3A_121, %dma_start3A_122] : memref<4096x200x128xf32, #tpu.memory_space<hbm>> -> memref<1x200x64xf32, #tpu.memory_space<hbm>>
    %dma_start3A_124 = tpu.memref_squeeze %dma_start3A_123 : memref<1x200x64xf32, #tpu.memory_space<hbm>> -> memref<200x64xf32, #tpu.memory_space<hbm>>
    tpu.enqueue_dma source(%arg7 : memref<200x64xf32, #tpu.memory_space<vmem>>) target(%dma_start3A_124 : memref<200x64xf32, #tpu.memory_space<hbm>>) target_semaphore(%arg20 : memref<!tpu.dma_semaphore, #tpu.memory_space<semaphore_mem>>)
    %dma_wait3A_125 = arith.constant 0 : i32
    %dma_wait3A_126 = arith.constant 0 : i32
    %dma_wait3A_127 = arith.constant 0 : i32
    %dma_wait3A_128 = tpu.memref_slice %arg5[%dma_wait3A_125, %dma_wait3A_126, %dma_wait3A_127] : memref<4096x200x128xf32, #tpu.memory_space<hbm>> -> memref<1x200x64xf32, #tpu.memory_space<hbm>>
    %dma_wait3A_129 = tpu.memref_squeeze %dma_wait3A_128 : memref<1x200x64xf32, #tpu.memory_space<hbm>> -> memref<200x64xf32, #tpu.memory_space<hbm>>
    %dma_wait3A_130 = arith.constant 0 : i32
    %dma_wait3A_131 = arith.constant 0 : i32
    %dma_wait3A_132 = tpu.memref_slice %arg5[%dma_wait3A_125, %dma_wait3A_130, %dma_wait3A_131] : memref<4096x200x128xf32, #tpu.memory_space<hbm>> -> memref<1x200x64xf32, #tpu.memory_space<hbm>>
    %dma_wait3A_133 = tpu.memref_squeeze %dma_wait3A_132 : memref<1x200x64xf32, #tpu.memory_space<hbm>> -> memref<200x64xf32, #tpu.memory_space<hbm>>
    tpu.wait_dma2 semaphore(%arg19 : memref<!tpu.dma_semaphore, #tpu.memory_space<semaphore_mem>>) src(%arg6 : memref<200x64xf32, #tpu.memory_space<vmem>>) dst(%dma_wait3A_133 : memref<200x64xf32, #tpu.memory_space<hbm>>)
    %dma_wait3A_134 = arith.constant 0 : i32
    %dma_wait3A_135 = arith.constant 0 : i32
    %dma_wait3A_136 = arith.constant 0 : i32
    %dma_wait3A_137 = tpu.memref_slice %arg5[%dma_wait3A_134, %dma_wait3A_135, %dma_wait3A_136] : memref<4096x200x128xf32, #tpu.memory_space<hbm>> -> memref<1x200x64xf32, #tpu.memory_space<hbm>>
    %dma_wait3A_138 = tpu.memref_squeeze %dma_wait3A_137 : memref<1x200x64xf32, #tpu.memory_space<hbm>> -> memref<200x64xf32, #tpu.memory_space<hbm>>
    %dma_wait3A_139 = arith.constant 0 : i32
    %dma_wait3A_140 = arith.constant 0 : i32
    %dma_wait3A_141 = tpu.memref_slice %arg5[%dma_wait3A_134, %dma_wait3A_139, %dma_wait3A_140] : memref<4096x200x128xf32, #tpu.memory_space<hbm>> -> memref<1x200x64xf32, #tpu.memory_space<hbm>>
    %dma_wait3A_142 = tpu.memref_squeeze %dma_wait3A_141 : memref<1x200x64xf32, #tpu.memory_space<hbm>> -> memref<200x64xf32, #tpu.memory_space<hbm>>
    tpu.wait_dma2 semaphore(%arg20 : memref<!tpu.dma_semaphore, #tpu.memory_space<semaphore_mem>>) src(%arg7 : memref<200x64xf32, #tpu.memory_space<vmem>>) dst(%dma_wait3A_142 : memref<200x64xf32, #tpu.memory_space<hbm>>)
    %dma_wait3A_143 = arith.constant 0 : i32
    %dma_wait3A_144 = arith.constant 0 : i32
    %dma_wait3A_145 = arith.constant 0 : i32
    %dma_wait3A_146 = tpu.memref_slice %arg5[%dma_wait3A_143, %dma_wait3A_144, %dma_wait3A_145] : memref<4096x200x128xf32, #tpu.memory_space<hbm>> -> memref<1x200x64xf32, #tpu.memory_space<hbm>>
    %dma_wait3A_147 = tpu.memref_squeeze %dma_wait3A_146 : memref<1x200x64xf32, #tpu.memory_space<hbm>> -> memref<200x64xf32, #tpu.memory_space<hbm>>
    %dma_wait3A_148 = arith.constant 0 : i32
    %dma_wait3A_149 = arith.constant 0 : i32
    %dma_wait3A_150 = tpu.memref_slice %arg5[%dma_wait3A_143, %dma_wait3A_148, %dma_wait3A_149] : memref<4096x200x128xf32, #tpu.memory_space<hbm>> -> memref<1x200x64xf32, #tpu.memory_space<hbm>>
    %dma_wait3A_151 = tpu.memref_squeeze %dma_wait3A_150 : memref<1x200x64xf32, #tpu.memory_space<hbm>> -> memref<200x64xf32, #tpu.memory_space<hbm>>
    tpu.wait_dma2 semaphore(%arg21 : memref<!tpu.dma_semaphore, #tpu.memory_space<semaphore_mem>>) src(%arg8 : memref<200x64xf32, #tpu.memory_space<vmem>>) dst(%dma_wait3A_151 : memref<200x64xf32, #tpu.memory_space<hbm>>)
    return
  }
}

</mosaic_0001>

<sc_bundles>
// kernel: _tpe_call.3.cloned.1.call-start
scs
__scs_entry_jumppad:
0x0: {  	(pc) =	sbr.rel $0x88, $3  }
0x1: {  	(tag) =	ssettag $0x0;
	lr =	simm.s32 $0x1  }
0x2: {  	[smem:$0x3F9E] =	sst lr;
	_ =	strace $0xD0000000  }
0x3: {  	_ = 	snop  }
0x4: {  	_ = 	snop  }
0x5: {  	_ = 	snop  }
0x6: {  	_ = 	snop  }
0x7: {  	_ = 	snop  }
__scs_overlays_trampoline_lowered:
0x8: {  	[smem:$0x3FAD] =	sst s0  }
0x9: {  	[smem:$0x3FAE] =	sst s1  }
0xa: {  	[smem:$0x3FAF] =	sst s2  }
0xb: {  	[smem:$0x3FB0] =	sst s3  }
0xc: {  	[smem:$0x3FB1] =	sst s4  }
0xd: {  	[smem:$0x3FB2] =	sst s5  }
0xe: {  	[smem:$0x3FB3] =	sst s6  }
0xf: {  	[smem:$0x3FB4] =	sst s7  }
0x10: {  	[smem:$0x3FB5] =	sst s8  }
0x11: {  	[smem:$0x3FB6] =	sst s9;
	s0 =	simm.s32 @!p0 $0x0  }
0x12: {  	s1 =	sld [smem:$0x3F9C];
	s0 =	simm.s32 @p0 $0x1  }
0x13: {  	[smem:$0x3FB7] =	sst s0;
	s0 =	simm.s32 @!p1 $0x0  }
0x14: {  	s2 =	sld [smem:$0x3F9B];
	s0 =	simm.s32 @p1 $0x1  }
0x15: {  	[smem:$0x3FB8] =	sst s0;
	s0 =	simm.s32 @!p2 $0x0  }
0x16: {  	s3 =	sld [smem:$0x3FDB];
	s0 =	simm.s32 @p2 $0x1  }
0x17: {  	s4 =	simm.s32 $0x1BF5;
	[smem:$0x3FBA] =	sst s0  }
0x18: {  	s0 =	sld [smem:$0x3F9D];
	_ =	swait.ge [sflag:s4], $0x0  }
0x19: {  	s7 =	sld [smem:$0x3F9E]  }
0x1a: {  	s8 =	sadd.s32 $0xFFFFE003, lr  }
0x1b: {  	s9 =	sadd.s32 $0xFFFFFEF7, lr;
	s5 =	simm.s32 $0xFFFFFFFF;
	p2 =	slt.u32 s8, $0xFFFFF086  }
0x1c: {  	p1 =	slt.u32 s9, $0xF7A;
	s5 =	simm.s32 @!p2 $0x0  }
0x1d: {  	s5 =	simm.s32 @p1 $0x1;
	p0 =	seq.s32 s7, s2  }
0x1e: {  	s7 =	smul.u32 @!p0 $0xF7A, s2;
	p2 =	seq.s32 @!p0 s5, $0x0  }
0x1f: {  	s9 =	smul.u32 $0xF7A, s1;
	s8 =	simm.s32 @!p0 $0x1BF5;
	p2 =	por !p2, p0  }
0x20: {  	[sflag:s8] =	ssyncset.s32 @!p0 $0xFFFFF086;
	s6 =	sadd.s32 @!p0 s3, s7;
	s7 =	simm.s32 @!p0 $0x108  }
0x21: {  	s3 =	sadd.s32 s3, s9;
	s6 =	sadd.s32 @!p0 $0x88, s6;
	s7 =	simm.s32 @p2 $0x1082  }
0x22: {  	[simem:s7], [sflag:s8] =	dma.local @!p0 [hbm:s6], $0xF7A  }
0x23: {  	s9 =	sor.u32 $0xD0000000, s2;
	s6 =	simm.s32 $0x108;
	_ =	swait.ge @!p0 [sflag:s8], $0x0  }
0x24: {  	s3 =	sadd.s32 $0x88, s3;
	s6 =	simm.s32 @!p1 $0x1082;
	[sflag:s4] =	ssyncset.s32 $0xFFFFF086  }
0x25: {  	[simem:s6], [sflag:s4] =	dma.local [hbm:s3], $0xF7A  }
0x26: {  	[smem:$0x3F9E] =	sst s1;
	(tag) =	ssettag s2;
	_ =	strace s9  }
0x27: {  	s1 =	sld [smem:$0x3FAE]  }
0x28: {  	s2 =	sld [smem:$0x3FAF]  }
0x29: {  	s4 =	sld [smem:$0x3FB1]  }
0x2a: {  	p0 =	seq.s32 s5, $0x0;
	s5 =	sld [smem:$0x3FB2]  }
0x2b: {  	s6 =	sld [smem:$0x3FB3]  }
0x2c: {  	s7 =	sld [smem:$0x3FB4]  }
0x2d: {  	s3 =	simm.s32 $0x108;
	s8 =	sld [smem:$0x3FB5]  }
0x2e: {  	s3 =	simm.s32 @!p0 $0x1082;
	s9 =	sld [smem:$0x3FB6]  }
0x2f: {  	lr =	sadd.s32 s0, s3;
	s0 =	sld [smem:$0x3FAD]  }
0x30: {  	s3 =	sld [smem:$0x3FB0]  }
0x31: {  	[smem:$0x3FB9] =	sst s10  }
0x32: {  	s10 =	sld [smem:$0x3FB7];
	_ =	sdelay $0x3  }
0x33: {  	p0 =	seq.s32 s10, $0x1;
	s10 =	sld [smem:$0x3FB9];
	_ =	sdelay $0x3  }
0x34: {  	[smem:$0x3FB9] =	sst s10  }
0x35: {  	s10 =	sld [smem:$0x3FB8];
	_ =	sdelay $0x3  }
0x36: {  	p1 =	seq.s32 s10, $0x1;
	s10 =	sld [smem:$0x3FB9];
	_ =	sdelay $0x3  }
0x37: {  	[smem:$0x3FB9] =	sst s10  }
0x38: {  	s10 =	sld [smem:$0x3FBA]  }
0x39: {  	_ = 	snop;
	(pc) =	sbr.ind lr, $3  }
0x3a: {  	_ = 	snop  }
0x3b: {  	_ = 	snop  }
0x3c: {  	p2 =	seq.s32 s10, $0x1;
	s10 =	sld [smem:$0x3FB9]  }
0x3d: {  	_ =	shalt  }
0x3e: {  	_ =	shalt  }
0x3f: {  	_ =	shalt  }
0x40: {  	_ =	shalt  }
0x41: {  	_ =	shalt  }
0x42: {  	_ =	shalt  }
0x43: {  	_ =	shalt  }
0x44: {  	_ =	shalt  }
0x45: {  	_ =	shalt  }
0x46: {  	_ =	shalt  }
0x47: {  	_ =	shalt  }
0x48: {  	_ =	shalt  }
0x49: {  	_ =	shalt  }
0x4a: {  	_ =	shalt  }
0x4b: {  	_ =	shalt  }
0x4c: {  	_ =	shalt  }
0x4d: {  	_ =	shalt  }
0x4e: {  	_ =	shalt  }
0x4f: {  	_ =	shalt  }
0x50: {  	_ =	shalt  }
0x51: {  	_ =	shalt  }
0x52: {  	_ =	shalt  }
0x53: {  	_ =	shalt  }
0x54: {  	_ =	shalt  }
0x55: {  	_ =	shalt  }
0x56: {  	_ =	shalt  }
0x57: {  	_ =	shalt  }
0x58: {  	_ =	shalt  }
0x59: {  	_ =	shalt  }
0x5a: {  	_ =	shalt  }
0x5b: {  	_ =	shalt  }
0x5c: {  	_ =	shalt  }
0x5d: {  	_ =	shalt  }
0x5e: {  	_ =	shalt  }
0x5f: {  	_ =	shalt  }
0x60: {  	_ =	shalt  }
0x61: {  	_ =	shalt  }
0x62: {  	_ =	shalt  }
0x63: {  	_ =	shalt  }
0x64: {  	_ =	shalt  }
0x65: {  	_ =	shalt  }
0x66: {  	_ =	shalt  }
0x67: {  	_ =	shalt  }
0x68: {  	_ =	shalt  }
0x69: {  	_ =	shalt  }
0x6a: {  	_ =	shalt  }
0x6b: {  	_ =	shalt  }
0x6c: {  	_ =	shalt  }
0x6d: {  	_ =	shalt  }
0x6e: {  	_ =	shalt  }
0x6f: {  	_ =	shalt  }
0x70: {  	_ =	shalt  }
0x71: {  	_ =	shalt  }
0x72: {  	_ =	shalt  }
0x73: {  	_ =	shalt  }
0x74: {  	_ =	shalt  }
0x75: {  	_ =	shalt  }
0x76: {  	_ =	shalt  }
0x77: {  	_ =	shalt  }
0x78: {  	_ =	shalt  }
0x79: {  	_ =	shalt  }
0x7a: {  	_ =	shalt  }
0x7b: {  	_ =	shalt  }
0x7c: {  	_ =	shalt  }
0x7d: {  	_ =	shalt  }
0x7e: {  	_ =	shalt  }
0x7f: {  	_ =	shalt  }
0x80: {  	_ =	shalt  }
0x81: {  	_ =	shalt  }
0x82: {  	_ =	shalt  }
0x83: {  	_ =	shalt  }
0x84: {  	_ =	shalt  }
0x85: {  	_ =	shalt  }
0x86: {  	_ =	shalt  }
0x87: {  	_ =	shalt  }
.Lfunc_end0:
.L_simem_size_0:
called_computation_lowered:
.L_overlay_start_0:
0x88: {  	s2 =	sld [smem:$0x3FD9]  }
0x89: {  	s3 =	sld [smem:$0x3FFE];
	_ =	sdelay $0x1  }
0x8a: {  	s1 =	srdreg.scid  }
0x8b: {  	s0 =	sand.u32 $0x1, s1  }
0x8c: {  	s17 =	sshll.u32 s0, $0xA;
	s2 =	sadd.s32 s3, s2  }
0x8d: {  	s2 =	sadd.s32 s2, s17  }
0x8e: {  	[smem:$0x3FC5] =	sst s2  }
0x8f: {  	_ = 	snop  }
0x90: {  	s2 =	sld [smem:$0x3FC9]  }
0x91: {  	s18 =	sld [smem:$0x3FD0];
	(tm) =	ssettm $0x1  }
0x92: {  	s4 =	sld [smem:$0x3FFB];
	_ =	sdelay $0x3  }
0x93: {  	_ =	strace s4  }
0x94: {  	s4 =	sld [smem:$0x3FFC];
	_ =	sdelay $0x3  }
0x95: {  	_ =	strace s4  }
0x96: {  	s4 =	sld [smem:$0x3FFD];
	_ =	sdelay $0x3  }
0x97: {  	_ =	strace s4  }
0x98: {  	_ =	strace $0x8FFFFFFF  }
0x99: {  	s19 =	sld [smem:$0x3FDB];
	_ =	sdelay $0x1  }
0x9a: {  	s5 =	simm.s32 $_scs_section_size  }
0x9b: {  	s6 =	simm.s32 $_size__tile_overlayer_lowered;
	s7 =	simm.s32 $_tile_overlayer_lowered  }
0x9c: {  	s22 =	simm.s32 $0x1BFF;
	s21 =	sshll.u32 s7, $0x1;
	s4 =	sadd.s32 s5, s19  }
0x9d: {  	s8 =	simm.s32 $0x0;
	s20 =	sshll.u32 s6, $0x1;
	s6 =	sadd.s32 s21, s4  }
0x9e: {  	[timem:s8], [sflag:s22] =	dma.local [hbm:s6], s20  }
0x9f: {  	_ =	swait.ge [sflag:s22], s20  }
0xa0: {  	s5 =	ssub.s32 $0x0, s20;
	[sflag:s22] =	ssyncset.done $0x0  }
0xa1: {  	[sflag:s22] =	ssyncadd.s32 s5;
	_ =	sdelay $0x1  }
0xa2: {  	s23 =	simm.s32 $0x1B8B  }
0xa3: {  	_ =	swait.ge [sflag:s23], $0x1  }
0xa4: {  	[sflag:s23] =	ssyncset.done $0x0  }
0xa5: {  	s25 =	simm.s32 $0x1B8E;
	s24 =	sld [smem:$0x3FFE];
	[sflag:s23] =	ssyncadd.s32 $0xFFFFFFFF  }
0xa6: {  	s26 =	simm.s32 $execute0_lowered;
	[smem:$0x3FD2] =	sst s25  }
0xa7: {  	s6 =	sshll.u32 s26, $0x1;
	_ =	strace $0x80000046;
	[dreg:$0x1] =	wrdreg $0xFFFFFFFF  }
0xa8: {  	s28 =	simm.s32 $_size_execute0_lowered;
	s4 =	sadd.s32 s4, s6;
	[dreg:$0x0] =	wrdreg $0x0  }
0xa9: {  	s6 =	sshll.u32 s28, $0x1;
	[dreg:$0x2] =	wrdreg s4  }
0xaa: {  	[dreg:$0x3] =	wrdreg s6  }
0xab: {  	[dreg:$0x4] =	wrdreg $0xC0  }
0xac: {  	_ =	task [dreg:s8], $0x5FFFF  }
0xad: {  	[dreg:$0x1] =	wrdreg $0xFFFFFFFF  }
0xae: {  	[dreg:$0x0] =	wrdreg $0x60  }
0xaf: {  	[dreg:$0x2] =	wrdreg s2  }
0xb0: {  	[dreg:$0x3] =	wrdreg s24  }
0xb1: {  	[dreg:$0x4] =	wrdreg s18  }
0xb2: {  	[dreg:$0x5] =	wrdreg $0x9  }
0xb3: {  	_ =	task.clear_ibuf [dreg:s8], $0x6FFFF;
	_ =	strace $0x90000046  }
0xb4: {  	s29 =	simm.s32 $0x9;
	_ =	strace $0x80000048  }
0xb5: {  	_ =	swait.ge [sflag:s29], $0x1  }
0xb6: {  	[sflag:s29] =	ssyncadd.s32 $0xFFFFFFFF  }
0xb7: {  	_ =	strace $0x90000048  }
0xb8: {  	_ =	sfence  }
0xb9: {  	s30 =	sld [smem:$0x0];
	_ =	sdelay $0x2  }
0xba: {  	s31 =	sshll.u32 s1, $0xD;
	s1 =	sshrl.u32 s1, $0x2  }
0xbb: {  	s3 =	sand.u32 $0x4000, s31;
	s1 =	sadd.s32 s1, s30  }
0xbc: {  	s0 =	sor.u32 s3, s0;
	s1 =	sshll.u32 s1, $0x11  }
0xbd: {  	s0 =	sor.u32 s1, s0  }
0xbe: {  	s0 =	sadd.s32 $0x8F2B, s0  }
0xbf: {  	[sflag:s0] =	ssyncadd.remote.s32 $0x1  }
0xc0: {  	_ =	sfence.sel $0xFFFF  }
0xc1: {  	[dreg:$0x0] =	wrdreg $0xFFFFFFFF;
	(pc) =	sbr.abs _section_cstart, $3  }
0xc2: {  	[dreg:$0x1] =	wrdreg $0xFFFFFFFF  }
0xc3: {  	_ =	task.clear_ibuf [dreg:s8], $0x2FFFF;
	_ =	strace $0x9FFFFFFF  }
0xc4: {  	(tm) =	ssettm $0x7FFFFFFF  }
0xc5: {  	_ =	shalt  }
tec
execute0_lowered:
.L_overlay_start_1:
0x0: {  	(tag) =	ssettag $0x1  }
0x1: {  	s1 =	rddreg [dreg:$0x0]  }
0x2: {  	s0 =	rddreg [dreg:$0x1]  }
0x3: {  	s3 =	rddreg [dreg:$0x2]  }
0x4: {  	s2 =	srdreg.scid;
	s5 =	stileid.u32;
	s4 =	simm.s32 $0x0  }
0x5: {  	s21 =	simm.s32 $0x96D0;
	s23 =	simm.s32 $0x1;
	s24 =	simm.s32 $0x68  }
0x6: {  	s30 =	simm.s32 $0x2;
	s31 =	simm.s32 $0x3200;
	s19 =	simm.s32 $0x3  }
0x7: {  	s16 =	simm.s32 $0x4;
	s17 =	simm.s32 $0x40;
	s18 =	simm.s32 $0x80  }
0x8: {  	s20 =	simm.s32 $0x5;
	s9 =	simm.s32 $0x8;
	s10 =	simm.s32 $0x6  }
0x9: {  	s11 =	simm.s32 $0x0;
	s2 =	sand.u32 $0x1, s2;
	[smem:$0x7FF] =	sst s4  }
0xa: {  	s5 =	sshll.u32 s5, $0x1;
	s6 =	ssub.s32 $0x2, s2;
	_ =	strace $0x80000047  }
0xb: {  	s2 =	sor.u32 s2, s5;
	s5 =	sadd.s32 $0x1E84E00, s0;
	s0 =	sadd.s32 $0x600, s0  }
0xc: {  	s7 =	sshrl.u32 s6, $0x1;
	s8 =	smul.u32 $0xC80, s2;
	[dreg:$0x4] =	wrdreg s0  }
0xd: {  	s25 =	ssub.s32 s6, s7;
	s7 =	sshll.u32 s2, $0x7;
	s2 =	smul.u32 $0x320000, s2  }
0xe: {  	s26 =	sadd.s32 s1, s8;
	s28 =	sor.u32 $0x3, s7;
	s12 =	sor.u32 $0x4, s7  }
0xf: {  	s13 =	sor.u32 $0x1, s7;
	s14 =	sor.u32 $0x5, s7;
	[dreg:$0x5] =	wrdreg s26  }
0x10: {  	s15 =	sor.u32 $0x2, s7;
	s0 =	smax.u32 s25, $0x1;
	[dreg:$0x8] =	wrdreg s28  }
0x11: {  	s8 =	sadd.s32 $0x19, s26;
	s2 =	sshrl.u32 s2, $0x3;
	[dreg:$0xb] =	wrdreg s0  }
0x12: {  	s6 =	sadd.s32 $0x32, s26;
	[dreg:$0x6] =	wrdreg s8;
	s2 =	sadd.s32 s3, s2  }
0x13: {  	s25 =	simm.s32 $0x9600;
	[dreg:$0x7] =	wrdreg s6;
	s29 =	sadd.s32 $0x62700, s2  }
0x14: {  	s26 =	simm.s32 $0x60;
	s2 =	sadd.s32 $0x63380, s2;
	[dreg:$0x9] =	wrdreg s29  }
0x15: {  	s6 =	simm.s32 $0x6400;
	s8 =	simm.s32 $0x7;
	[dreg:$0xa] =	wrdreg s2  }
.LBB2_1:
0x16: {  	s0 =	rddreg [dreg:$0x4];
	s2 =	simm.s32 $0x9870  }
0x17: {  	[tilespmem:s2], [sflag:$0xA] =	stream.linear.gather [hbm4b:s0+s4], $0x3200, $0x38;
	[tilespmem:$0xCA70] =	vst v63  }
0x18: {  	[dreg:$0xc] =	wrdreg s11;
	s2 =	simm.s32 $0xA  }
0x19: {  	_ =	swait.ge [sflag:s2], $0x3200  }
0x1a: {  	[sflag:s2] =	ssyncset.done $0x0  }
0x1b: {  	s11 =	rddreg [dreg:$0x5];
	[sflag:s2] =	ssyncadd.s32 $0xFFFFCE00  }
0x1c: {  	[tilespmem:s25], [sflag:$0x1] =	stream.linear.gather [hbm4b:s11+s4], $0xC8, $0x38;
	[tilespmem:$0xCA70] =	vst v63  }
0x1d: {  	s22 =	rddreg [dreg:$0x6]  }
0x1e: {  	[tilespmem:s21], [sflag:$0x2] =	stream.linear.gather [hbm4b:s22+s4], $0xC8, $0x38;
	[tilespmem:$0xCA70] =	vst v63  }
0x1f: {  	s29 =	simm.s32 $0x97A0;
	s28 =	rddreg [dreg:$0x7]  }
0x20: {  	[tilespmem:s29], [sflag:$0x3] =	stream.linear.gather [hbm4b:s28+s4], $0xC8, $0x38;
	[tilespmem:$0xCA70] =	vst v63  }
0x21: {  	_ =	swait.ge [sflag:s23], $0xC8  }
0x22: {  	[sflag:s23] =	ssyncset.done $0x0  }
0x23: {  	[sflag:s23] =	ssyncadd.s32 $0xFFFFFF38  }
0x24: {  	v0 =	vld [tilespmem:s25+$0x0];
	_ =	sdelay $0x4  }
0x25: {  	s0 =	simm.s32 $0x9610;
	s2 =	simm.s32 $0x10;
	s11 =	simm.s32 $0x9600;
	v0 =	vshll.u32 v0, $0x1  }
.LBB2_2:
0x26: {  	s2 =	sadd.s32 $0x10, s2  }
0x27: {  	v1 =	vld [tilespmem:s0+$0x0];
	[tilespmem:s11+$0x0] =	vst v0;
	s11 =	smov.u32 s0;
	p0 =	slt.u32 s2, $0xB8  }
.Ltmp0:
0x28: {  	(pc) =	sbr.rel @p0 .LBB2_2-.Ltmp0, $2  }
0x29: {  	_ =	sdelay $0x2  }
0x2a: {  	s0 =	sadd.s32 $0x10, s0;
	v0 =	vshll.u32 v1, $0x1  }
0x2b: {  	v1 =	vld [tilespmem:s0+$0x0];
	_ =	sdelay $0x4  }
0x2c: {  	[tilespmem:s11+$0x0] =	vst v0;
	v0 =	vshll.u32 v1, $0x1  }
0x2d: {  	[tilespmem:s0+$0x0] =	vst v0  }
0x2e: {  	[tilespmem:s4], [sflag:$0x4] =	stream.indirect.gather [hbm4b:s5+s24], $0x40, s25, s24, $0xb8;
	[tilespmem:$0xCA70] =	vst v63  }
0x2f: {  	s29 =	simm.s32 $0x9668;
	s2 =	simm.s32 $0x1A00  }
0x30: {  	[tilespmem:s2], [sflag:$0x4] =	stream.indirect.gather [hbm4b:s5+s26], $0x40, s29, s26, $0xb8;
	[tilespmem:$0xCA70] =	vst v63  }
0x31: {  	_ =	swait.ge [sflag:s30], $0xC8  }
0x32: {  	[sflag:s30] =	ssyncset.done $0x0  }
0x33: {  	s0 =	simm.s32 $0x96D0;
	[sflag:s30] =	ssyncadd.s32 $0xFFFFFF38  }
0x34: {  	v0 =	vld [tilespmem:s0+$0x0];
	_ =	sdelay $0x4  }
0x35: {  	s11 =	simm.s32 $0x10;
	s2 =	simm.s32 $0x96E0;
	v0 =	vshll.u32 v0, $0x1  }
.LBB2_4:
0x36: {  	s11 =	sadd.s32 $0x10, s11  }
0x37: {  	v1 =	vld [tilespmem:s2+$0x0];
	[tilespmem:s0+$0x0] =	vst v0;
	s0 =	smov.u32 s2;
	p0 =	slt.u32 s11, $0xB8  }
.Ltmp1:
0x38: {  	(pc) =	sbr.rel @p0 .LBB2_4-.Ltmp1, $2  }
0x39: {  	_ =	sdelay $0x2  }
0x3a: {  	s2 =	sadd.s32 $0x10, s2;
	v0 =	vshll.u32 v1, $0x1  }
0x3b: {  	v1 =	vld [tilespmem:s2+$0x0];
	_ =	sdelay $0x4  }
0x3c: {  	[tilespmem:s0+$0x0] =	vst v0;
	v63 =	vshll.u32 v1, $0x1  }
0x3d: {  	[tilespmem:s2+$0x0] =	vst v63  }
0x3e: {  	[tilespmem:s31], [sflag:$0x5] =	stream.indirect.gather [hbm4b:s5+s24], $0x40, s21, s24, $0xb8;
	[tilespmem:$0xCA70] =	vst v63  }
0x3f: {  	s28 =	simm.s32 $0x9738;
	s29 =	simm.s32 $0x4C00;
	s22 =	simm.s32 $0x0  }
0x40: {  	[tilespmem:s29], [sflag:$0x5] =	stream.indirect.gather [hbm4b:s5+s26], $0x40, s28, s26, $0xb8;
	[tilespmem:$0xCA70] =	vst v63  }
.LBB2_6:
0x41: {  	p0 =	seq.s32 s22, $0x0  }
0x42: {  	s0 =	simm.s32 @!p0 $0x9  }
0x43: {  	_ =	swait.ge @!p0 [sflag:s0], $0x3200  }
0x44: {  	[sflag:s0] =	ssyncset.done @!p0 $0x0  }
0x45: {  	[sflag:s0] =	ssyncadd.s32 @!p0 $0xFFFFCE00  }
0x46: {  	_ =	swait.ge [sflag:s19], $0xC8  }
0x47: {  	[sflag:s19] =	ssyncset.done $0x0  }
0x48: {  	s0 =	simm.s32 $0x97A0;
	[sflag:s19] =	ssyncadd.s32 $0xFFFFFF38  }
0x49: {  	v0 =	vld [tilespmem:s0+$0x0];
	_ =	sdelay $0x4  }
0x4a: {  	s28 =	smul.u32 $0x3, s22;
	s11 =	simm.s32 $0x10;
	s2 =	simm.s32 $0x97B0;
	v0 =	vshll.u32 v0, $0x1  }
.LBB2_7:
0x4b: {  	s11 =	sadd.s32 $0x10, s11  }
0x4c: {  	v1 =	vld [tilespmem:s2+$0x0];
	[tilespmem:s0+$0x0] =	vst v0;
	s0 =	smov.u32 s2;
	p0 =	slt.u32 s11, $0xB8  }
.Ltmp2:
0x4d: {  	(pc) =	sbr.rel @p0 .LBB2_7-.Ltmp2, $2  }
0x4e: {  	_ =	sdelay $0x2  }
0x4f: {  	s2 =	sadd.s32 $0x10, s2;
	v0 =	vshll.u32 v1, $0x1  }
0x50: {  	v1 =	vld [tilespmem:s2+$0x0];
	_ =	sdelay $0x4  }
0x51: {  	[tilespmem:s0+$0x0] =	vst v0;
	v0 =	vshll.u32 v1, $0x1  }
0x52: {  	s11 =	simm.s32 $0x97A0;
	[tilespmem:s2+$0x0] =	vst v0  }
0x53: {  	[tilespmem:s6], [sflag:$0x6] =	stream.indirect.gather [hbm4b:s5+s24], $0x40, s11, s24, $0xb8;
	[tilespmem:$0xCA70] =	vst v63  }
0x54: {  	s2 =	simm.s32 $0x9808;
	s11 =	simm.s32 $0x7E00  }
0x55: {  	[tilespmem:s11], [sflag:$0x6] =	stream.indirect.gather [hbm4b:s5+s26], $0x40, s2, s26, $0xb8;
	[tilespmem:$0xCA70] =	vst v63  }
0x56: {  	s11 =	rddreg [dreg:$0x8]  }
0x57: {  	s0 =	sadd.s32 s28, s11  }
0x58: {  	_ =	swait.ge [sflag:s16], $0x3200;
	s0 =	smul.u32 $0x19, s0  }
0x59: {  	[sflag:s16] =	ssyncset.done $0x0  }
0x5a: {  	s29 =	simm.s32 $0x80;
	[sflag:s16] =	ssyncadd.s32 $0xFFFFCE00;
	s0 =	sadd.s32 s1, s0  }
0x5b: {  	[tilespmem:s25], [sflag:$0x1] =	stream.linear.gather [hbm4b:s0+s4], $0xC8, $0x38;
	[tilespmem:$0xCA70] =	vst v63  }
0x5c: {  	s0 =	simm.s32 $0x98F0;
	v0 =	vld [tilespmem:s29+$0x40]  }
0x5d: {  	v1 =	vld [tilespmem:s0+$0x40]  }
0x5e: {  	v2 =	vld [tilespmem:s29+$0xFFFFFFC0]  }
0x5f: {  	v3 =	vld [tilespmem:s0+$0xFFFFFFC0]  }
0x60: {  	v4 =	vld [tilespmem:s29+$0x0]  }
0x61: {  	v5 =	vld [tilespmem:s0+$0x0]  }
0x62: {  	v6 =	vld [tilespmem:s29+$0xFFFFFF80];
	v0 =	vadd.f32 v1, v0  }
0x63: {  	v1 =	vld [tilespmem:s0+$0xFFFFFF80]  }
0x64: {  	[tilespmem:s29+$0x40] =	vst v0;
	v0 =	vld [tilespmem:s29+$0x50]  }
0x65: {  	v2 =	vadd.f32 v3, v2;
	v3 =	vld [tilespmem:s0+$0x50]  }
0x66: {  	v7 =	vld [tilespmem:s29+$0xFFFFFF90]  }
0x67: {  	[tilespmem:s29+$0xFFFFFFC0] =	vst v2;
	v2 =	vadd.f32 v5, v4;
	v4 =	vld [tilespmem:s29+$0xFFFFFFD0]  }
0x68: {  	v5 =	vld [tilespmem:s0+$0xFFFFFFD0];
	v1 =	vadd.f32 v1, v6  }
0x69: {  	[tilespmem:s29+$0x0] =	vst v2;
	v2 =	vld [tilespmem:s29+$0x10]  }
0x6a: {  	v6 =	vld [tilespmem:s0+$0x10];
	[tilespmem:s29+$0xFFFFFF80] =	vst v1;
	v0 =	vadd.f32 v3, v0  }
0x6b: {  	v1 =	vld [tilespmem:s0+$0xFFFFFF90]  }
0x6c: {  	[tilespmem:s29+$0x50] =	vst v0;
	v0 =	vld [tilespmem:s29+$0x60]  }
0x6d: {  	v3 =	vadd.f32 v5, v4;
	v4 =	vld [tilespmem:s0+$0x60]  }
0x6e: {  	v5 =	vld [tilespmem:s29+$0xFFFFFFA0]  }
0x6f: {  	[tilespmem:s29+$0xFFFFFFD0] =	vst v3;
	v2 =	vadd.f32 v6, v2;
	v3 =	vld [tilespmem:s29+$0xFFFFFFE0]  }
0x70: {  	v6 =	vld [tilespmem:s0+$0xFFFFFFE0];
	v1 =	vadd.f32 v1, v7  }
0x71: {  	[tilespmem:s29+$0x10] =	vst v2;
	v2 =	vld [tilespmem:s29+$0x20]  }
0x72: {  	v7 =	vld [tilespmem:s0+$0x20];
	[tilespmem:s29+$0xFFFFFF90] =	vst v1;
	v0 =	vadd.f32 v4, v0  }
0x73: {  	v4 =	vld [tilespmem:s0+$0xFFFFFFA0]  }
0x74: {  	v8 =	vld [tilespmem:s29+$0x70];
	[tilespmem:s29+$0x60] =	vst v0  }
0x75: {  	v1 =	vadd.f32 v6, v3;
	v6 =	vld [tilespmem:s0+$0x70]  }
0x76: {  	v0 =	vld [tilespmem:s29+$0xFFFFFFB0]  }
0x77: {  	[tilespmem:s29+$0xFFFFFFE0] =	vst v1;
	v2 =	vadd.f32 v7, v2;
	v1 =	vld [tilespmem:s29+$0xFFFFFFF0]  }
0x78: {  	v3 =	vld [tilespmem:s0+$0xFFFFFFF0];
	v4 =	vadd.f32 v4, v5  }
0x79: {  	[tilespmem:s29+$0x20] =	vst v2;
	v2 =	vld [tilespmem:s29+$0x30]  }
0x7a: {  	[tilespmem:s29+$0xFFFFFFA0] =	vst v4;
	v4 =	vld [tilespmem:s0+$0x30];
	v6 =	vadd.f32 v6, v8  }
0x7b: {  	s2 =	simm.s32 $0x0;
	s11 =	simm.s32 $0x180;
	v5 =	vld [tilespmem:s0+$0xFFFFFFB0]  }
.LBB2_9:
0x7c: {  	v7 =	vld [tilespmem:s11+$0x40];
	[tilespmem:s29+$0x70] =	vst v6;
	s0 =	sadd.s32 $0x100, s0  }
0x7d: {  	s2 =	sadd.s32 $0x4, s2;
	v6 =	vld [tilespmem:s0+$0x40];
	v1 =	vadd.f32 v3, v1  }
0x7e: {  	p0 =	slt.u32 s2, $0xC4;
	v3 =	vld [tilespmem:s0+$0xFFFFFF80]  }
0x7f: {  	v8 =	vld [tilespmem:s11+$0xFFFFFFC0];
	[tilespmem:s29+$0xFFFFFFF0] =	vst v1;
	v1 =	vadd.f32 v4, v2  }
0x80: {  	v2 =	vld [tilespmem:s0+$0xFFFFFFC0];
	v0 =	vadd.f32 v5, v0  }
0x81: {  	v4 =	vld [tilespmem:s11+$0x0];
	[tilespmem:s29+$0x30] =	vst v1  }
0x82: {  	v1 =	vld [tilespmem:s0+$0x0];
	v5 =	vadd.f32 v6, v7;
	[tilespmem:s29+$0xFFFFFFB0] =	vst v0;
	s29 =	smov.u32 s11  }
0x83: {  	v0 =	vld [tilespmem:s11+$0xFFFFFF80]  }
0x84: {  	[tilespmem:s11+$0x40] =	vst v5;
	v5 =	vld [tilespmem:s11+$0x50]  }
0x85: {  	v2 =	vadd.f32 v2, v8;
	v6 =	vld [tilespmem:s0+$0x50]  }
0x86: {  	v7 =	vld [tilespmem:s11+$0xFFFFFF90]  }
0x87: {  	[tilespmem:s11+$0xFFFFFFC0] =	vst v2;
	v2 =	vld [tilespmem:s11+$0xFFFFFFD0];
	v1 =	vadd.f32 v1, v4  }
0x88: {  	v0 =	vadd.f32 v3, v0;
	v3 =	vld [tilespmem:s0+$0xFFFFFFD0]  }
0x89: {  	[tilespmem:s11+$0x0] =	vst v1;
	v1 =	vld [tilespmem:s11+$0x10]  }
0x8a: {  	[tilespmem:s11+$0xFFFFFF80] =	vst v0;
	v0 =	vld [tilespmem:s0+$0x10];
	v4 =	vadd.f32 v6, v5  }
0x8b: {  	v5 =	vld [tilespmem:s0+$0xFFFFFF90]  }
0x8c: {  	[tilespmem:s11+$0x50] =	vst v4;
	v4 =	vld [tilespmem:s11+$0x60]  }
0x8d: {  	v2 =	vadd.f32 v3, v2;
	v3 =	vld [tilespmem:s0+$0x60]  }
0x8e: {  	v6 =	vld [tilespmem:s11+$0xFFFFFFA0]  }
0x8f: {  	[tilespmem:s11+$0xFFFFFFD0] =	vst v2;
	v2 =	vld [tilespmem:s11+$0xFFFFFFE0];
	v0 =	vadd.f32 v0, v1  }
0x90: {  	v1 =	vadd.f32 v5, v7;
	v5 =	vld [tilespmem:s0+$0xFFFFFFE0]  }
0x91: {  	[tilespmem:s11+$0x10] =	vst v0;
	v7 =	vld [tilespmem:s11+$0x20]  }
0x92: {  	[tilespmem:s11+$0xFFFFFF90] =	vst v1;
	v8 =	vld [tilespmem:s0+$0x20];
	v0 =	vadd.f32 v3, v4  }
0x93: {  	v3 =	vld [tilespmem:s0+$0xFFFFFFA0]  }
0x94: {  	[tilespmem:s11+$0x60] =	vst v0;
	v9 =	vld [tilespmem:s11+$0x70]  }
0x95: {  	v1 =	vadd.f32 v5, v2;
	v5 =	vld [tilespmem:s0+$0x70]  }
0x96: {  	v0 =	vld [tilespmem:s11+$0xFFFFFFB0]  }
.Ltmp3:
0x97: {  	[tilespmem:s11+$0xFFFFFFE0] =	vst v1;
	v1 =	vld [tilespmem:s11+$0xFFFFFFF0];
	v2 =	vadd.f32 v8, v7;
	(pc) =	sbr.rel @p0 .LBB2_9-.Ltmp3, $4  }
0x98: {  	v4 =	vadd.f32 v3, v6;
	v3 =	vld [tilespmem:s0+$0xFFFFFFF0]  }
0x99: {  	[tilespmem:s11+$0x20] =	vst v2;
	v2 =	vld [tilespmem:s11+$0x30]  }
0x9a: {  	[tilespmem:s11+$0xFFFFFFA0] =	vst v4;
	v4 =	vld [tilespmem:s0+$0x30];
	v6 =	vadd.f32 v5, v9  }
0x9b: {  	s11 =	sadd.s32 $0x100, s11;
	v5 =	vld [tilespmem:s0+$0xFFFFFFB0]  }
0x9c: {  	_ =	sdelay $0x1  }
0x9d: {  	v1 =	vadd.f32 v3, v1  }
0x9e: {  	[tilespmem:s29+$0x70] =	vst v6;
	s0 =	sadd.s32 s7, s28;
	v2 =	vadd.f32 v4, v2  }
0x9f: {  	s0 =	smul.u32 $0xC80, s0;
	[tilespmem:s29+$0xFFFFFFF0] =	vst v1;
	v0 =	vadd.f32 v5, v0  }
0xa0: {  	[tilespmem:s29+$0x30] =	vst v2  }
0xa1: {  	s0 =	sadd.s32 s3, s0;
	[tilespmem:s29+$0xFFFFFFB0] =	vst v0  }
0xa2: {  	[hbm4b:s0+s17] =	stream.strided.scatter [tilespmem:s4], [sflag:$0x7], $0x3200, s18, s17, $0x38;
	[tilespmem:$0xCA70] =	vst v63  }
0xa3: {  	_ =	swait.ge [sflag:s8], $0x3200  }
0xa4: {  	[sflag:s8] =	ssyncset.done $0x0  }
0xa5: {  	[sflag:s8] =	ssyncadd.s32 $0xFFFFCE00  }
0xa6: {  	_ =	swait.ge [sflag:s23], $0xC8  }
0xa7: {  	[sflag:s23] =	ssyncset.done $0x0  }
0xa8: {  	s0 =	simm.s32 $0x9600;
	[sflag:s23] =	ssyncadd.s32 $0xFFFFFF38  }
0xa9: {  	v0 =	vld [tilespmem:s0+$0x0];
	_ =	sdelay $0x4  }
0xaa: {  	s11 =	simm.s32 $0x10;
	s2 =	simm.s32 $0x9610;
	v0 =	vshll.u32 v0, $0x1  }
.LBB2_11:
0xab: {  	s11 =	sadd.s32 $0x10, s11  }
0xac: {  	v1 =	vld [tilespmem:s2+$0x0];
	[tilespmem:s0+$0x0] =	vst v0;
	s0 =	smov.u32 s2;
	p0 =	slt.u32 s11, $0xB8  }
.Ltmp4:
0xad: {  	(pc) =	sbr.rel @p0 .LBB2_11-.Ltmp4, $2  }
0xae: {  	_ =	sdelay $0x2  }
0xaf: {  	s2 =	sadd.s32 $0x10, s2;
	v0 =	vshll.u32 v1, $0x1  }
0xb0: {  	v1 =	vld [tilespmem:s2+$0x0];
	_ =	sdelay $0x4  }
0xb1: {  	[tilespmem:s0+$0x0] =	vst v0;
	v0 =	vshll.u32 v1, $0x1  }
0xb2: {  	[tilespmem:s2+$0x0] =	vst v0  }
0xb3: {  	[tilespmem:s4], [sflag:$0x4] =	stream.indirect.gather [hbm4b:s5+s24], $0x40, s25, s24, $0xb8;
	[tilespmem:$0xCA70] =	vst v63  }
0xb4: {  	s11 =	simm.s32 $0x1A00;
	s2 =	simm.s32 $0x9668  }
0xb5: {  	[tilespmem:s11], [sflag:$0x4] =	stream.indirect.gather [hbm4b:s5+s26], $0x40, s2, s26, $0xb8;
	[tilespmem:$0xCA70] =	vst v63  }
0xb6: {  	s11 =	sadd.s32 s28, s12  }
0xb7: {  	_ =	swait.ge [sflag:s20], $0x3200;
	s0 =	smul.u32 $0x19, s11  }
0xb8: {  	[sflag:s20] =	ssyncset.done $0x0  }
0xb9: {  	s29 =	simm.s32 $0x3280;
	[sflag:s20] =	ssyncadd.s32 $0xFFFFCE00;
	s0 =	sadd.s32 s1, s0  }
0xba: {  	[tilespmem:s21], [sflag:$0x2] =	stream.linear.gather [hbm4b:s0+s4], $0xC8, $0x38;
	[tilespmem:$0xCA70] =	vst v63  }
0xbb: {  	s0 =	simm.s32 $0x98F0;
	v0 =	vld [tilespmem:s29+$0x40]  }
0xbc: {  	v1 =	vld [tilespmem:s0+$0x40]  }
0xbd: {  	v2 =	vld [tilespmem:s29+$0xFFFFFFC0]  }
0xbe: {  	v3 =	vld [tilespmem:s0+$0xFFFFFFC0]  }
0xbf: {  	v4 =	vld [tilespmem:s29+$0x0]  }
0xc0: {  	v5 =	vld [tilespmem:s0+$0x0]  }
0xc1: {  	v6 =	vld [tilespmem:s29+$0xFFFFFF80];
	v0 =	vadd.f32 v1, v0  }
0xc2: {  	v1 =	vld [tilespmem:s0+$0xFFFFFF80]  }
0xc3: {  	[tilespmem:s29+$0x40] =	vst v0;
	v0 =	vld [tilespmem:s29+$0x50]  }
0xc4: {  	v2 =	vadd.f32 v3, v2;
	v3 =	vld [tilespmem:s0+$0x50]  }
0xc5: {  	v7 =	vld [tilespmem:s29+$0xFFFFFF90]  }
0xc6: {  	[tilespmem:s29+$0xFFFFFFC0] =	vst v2;
	v2 =	vadd.f32 v5, v4;
	v4 =	vld [tilespmem:s29+$0xFFFFFFD0]  }
0xc7: {  	v5 =	vld [tilespmem:s0+$0xFFFFFFD0];
	v1 =	vadd.f32 v1, v6  }
0xc8: {  	[tilespmem:s29+$0x0] =	vst v2;
	v2 =	vld [tilespmem:s29+$0x10]  }
0xc9: {  	v6 =	vld [tilespmem:s0+$0x10];
	[tilespmem:s29+$0xFFFFFF80] =	vst v1;
	v0 =	vadd.f32 v3, v0  }
0xca: {  	v1 =	vld [tilespmem:s0+$0xFFFFFF90]  }
0xcb: {  	[tilespmem:s29+$0x50] =	vst v0;
	v0 =	vld [tilespmem:s29+$0x60]  }
0xcc: {  	v3 =	vadd.f32 v5, v4;
	v4 =	vld [tilespmem:s0+$0x60]  }
0xcd: {  	v5 =	vld [tilespmem:s29+$0xFFFFFFA0]  }
0xce: {  	[tilespmem:s29+$0xFFFFFFD0] =	vst v3;
	v2 =	vadd.f32 v6, v2;
	v3 =	vld [tilespmem:s29+$0xFFFFFFE0]  }
0xcf: {  	v6 =	vld [tilespmem:s0+$0xFFFFFFE0];
	v1 =	vadd.f32 v1, v7  }
0xd0: {  	[tilespmem:s29+$0x10] =	vst v2;
	v2 =	vld [tilespmem:s29+$0x20]  }
0xd1: {  	v7 =	vld [tilespmem:s0+$0x20];
	[tilespmem:s29+$0xFFFFFF90] =	vst v1;
	v0 =	vadd.f32 v4, v0  }
0xd2: {  	v4 =	vld [tilespmem:s0+$0xFFFFFFA0]  }
0xd3: {  	v8 =	vld [tilespmem:s29+$0x70];
	[tilespmem:s29+$0x60] =	vst v0  }
0xd4: {  	v1 =	vadd.f32 v6, v3;
	v6 =	vld [tilespmem:s0+$0x70]  }
0xd5: {  	v0 =	vld [tilespmem:s29+$0xFFFFFFB0]  }
0xd6: {  	[tilespmem:s29+$0xFFFFFFE0] =	vst v1;
	v2 =	vadd.f32 v7, v2;
	v1 =	vld [tilespmem:s29+$0xFFFFFFF0]  }
0xd7: {  	v3 =	vld [tilespmem:s0+$0xFFFFFFF0];
	v4 =	vadd.f32 v4, v5  }
0xd8: {  	[tilespmem:s29+$0x20] =	vst v2;
	v2 =	vld [tilespmem:s29+$0x30]  }
0xd9: {  	[tilespmem:s29+$0xFFFFFFA0] =	vst v4;
	v4 =	vld [tilespmem:s0+$0x30];
	v6 =	vadd.f32 v6, v8  }
0xda: {  	s2 =	simm.s32 $0x0;
	s11 =	simm.s32 $0x3380;
	v5 =	vld [tilespmem:s0+$0xFFFFFFB0]  }
.LBB2_13:
0xdb: {  	v7 =	vld [tilespmem:s11+$0x40];
	[tilespmem:s29+$0x70] =	vst v6;
	s0 =	sadd.s32 $0x100, s0  }
0xdc: {  	s2 =	sadd.s32 $0x4, s2;
	v6 =	vld [tilespmem:s0+$0x40];
	v1 =	vadd.f32 v3, v1  }
0xdd: {  	p0 =	slt.u32 s2, $0xC4;
	v3 =	vld [tilespmem:s0+$0xFFFFFF80]  }
0xde: {  	v8 =	vld [tilespmem:s11+$0xFFFFFFC0];
	[tilespmem:s29+$0xFFFFFFF0] =	vst v1;
	v1 =	vadd.f32 v4, v2  }
0xdf: {  	v2 =	vld [tilespmem:s0+$0xFFFFFFC0];
	v0 =	vadd.f32 v5, v0  }
0xe0: {  	v4 =	vld [tilespmem:s11+$0x0];
	[tilespmem:s29+$0x30] =	vst v1  }
0xe1: {  	v1 =	vld [tilespmem:s0+$0x0];
	v5 =	vadd.f32 v6, v7;
	[tilespmem:s29+$0xFFFFFFB0] =	vst v0;
	s29 =	smov.u32 s11  }
0xe2: {  	v0 =	vld [tilespmem:s11+$0xFFFFFF80]  }
0xe3: {  	[tilespmem:s11+$0x40] =	vst v5;
	v5 =	vld [tilespmem:s11+$0x50]  }
0xe4: {  	v2 =	vadd.f32 v2, v8;
	v6 =	vld [tilespmem:s0+$0x50]  }
0xe5: {  	v7 =	vld [tilespmem:s11+$0xFFFFFF90]  }
0xe6: {  	[tilespmem:s11+$0xFFFFFFC0] =	vst v2;
	v2 =	vld [tilespmem:s11+$0xFFFFFFD0];
	v1 =	vadd.f32 v1, v4  }
0xe7: {  	v0 =	vadd.f32 v3, v0;
	v3 =	vld [tilespmem:s0+$0xFFFFFFD0]  }
0xe8: {  	[tilespmem:s11+$0x0] =	vst v1;
	v1 =	vld [tilespmem:s11+$0x10]  }
0xe9: {  	[tilespmem:s11+$0xFFFFFF80] =	vst v0;
	v0 =	vld [tilespmem:s0+$0x10];
	v4 =	vadd.f32 v6, v5  }
0xea: {  	v5 =	vld [tilespmem:s0+$0xFFFFFF90]  }
0xeb: {  	[tilespmem:s11+$0x50] =	vst v4;
	v4 =	vld [tilespmem:s11+$0x60]  }
0xec: {  	v2 =	vadd.f32 v3, v2;
	v3 =	vld [tilespmem:s0+$0x60]  }
0xed: {  	v6 =	vld [tilespmem:s11+$0xFFFFFFA0]  }
0xee: {  	[tilespmem:s11+$0xFFFFFFD0] =	vst v2;
	v2 =	vld [tilespmem:s11+$0xFFFFFFE0];
	v0 =	vadd.f32 v0, v1  }
0xef: {  	v1 =	vadd.f32 v5, v7;
	v5 =	vld [tilespmem:s0+$0xFFFFFFE0]  }
0xf0: {  	[tilespmem:s11+$0x10] =	vst v0;
	v7 =	vld [tilespmem:s11+$0x20]  }
0xf1: {  	[tilespmem:s11+$0xFFFFFF90] =	vst v1;
	v8 =	vld [tilespmem:s0+$0x20];
	v0 =	vadd.f32 v3, v4  }
0xf2: {  	v3 =	vld [tilespmem:s0+$0xFFFFFFA0]  }
0xf3: {  	[tilespmem:s11+$0x60] =	vst v0;
	v9 =	vld [tilespmem:s11+$0x70]  }
0xf4: {  	v1 =	vadd.f32 v5, v2;
	v5 =	vld [tilespmem:s0+$0x70]  }
0xf5: {  	v0 =	vld [tilespmem:s11+$0xFFFFFFB0]  }
.Ltmp5:
0xf6: {  	[tilespmem:s11+$0xFFFFFFE0] =	vst v1;
	v1 =	vld [tilespmem:s11+$0xFFFFFFF0];
	v2 =	vadd.f32 v8, v7;
	(pc) =	sbr.rel @p0 .LBB2_13-.Ltmp5, $4  }
0xf7: {  	v4 =	vadd.f32 v3, v6;
	v3 =	vld [tilespmem:s0+$0xFFFFFFF0]  }
0xf8: {  	[tilespmem:s11+$0x20] =	vst v2;
	v2 =	vld [tilespmem:s11+$0x30]  }
0xf9: {  	[tilespmem:s11+$0xFFFFFFA0] =	vst v4;
	v4 =	vld [tilespmem:s0+$0x30];
	v6 =	vadd.f32 v5, v9  }
0xfa: {  	s11 =	sadd.s32 $0x100, s11;
	v5 =	vld [tilespmem:s0+$0xFFFFFFB0]  }
0xfb: {  	_ =	sdelay $0x1  }
0xfc: {  	v1 =	vadd.f32 v3, v1  }
0xfd: {  	[tilespmem:s29+$0x70] =	vst v6;
	s0 =	sadd.s32 s28, s13;
	v2 =	vadd.f32 v4, v2  }
0xfe: {  	s0 =	smul.u32 $0xC80, s0;
	[tilespmem:s29+$0xFFFFFFF0] =	vst v1;
	v0 =	vadd.f32 v5, v0  }
0xff: {  	[tilespmem:s29+$0x30] =	vst v2  }
0x100: {  	s0 =	sadd.s32 s3, s0;
	[tilespmem:s29+$0xFFFFFFB0] =	vst v0  }
0x101: {  	[hbm4b:s0+s17] =	stream.strided.scatter [tilespmem:s31], [sflag:$0x8], $0x3200, s18, s17, $0x38;
	[tilespmem:$0xCA70] =	vst v63  }
0x102: {  	_ =	swait.ge [sflag:s9], $0x3200  }
0x103: {  	[sflag:s9] =	ssyncset.done $0x0  }
0x104: {  	[sflag:s9] =	ssyncadd.s32 $0xFFFFCE00  }
0x105: {  	_ =	swait.ge [sflag:s30], $0xC8  }
0x106: {  	[sflag:s30] =	ssyncset.done $0x0  }
0x107: {  	s0 =	simm.s32 $0x96D0;
	[sflag:s30] =	ssyncadd.s32 $0xFFFFFF38  }
0x108: {  	v0 =	vld [tilespmem:s0+$0x0];
	_ =	sdelay $0x4  }
0x109: {  	s11 =	simm.s32 $0x10;
	s2 =	simm.s32 $0x96E0;
	v0 =	vshll.u32 v0, $0x1  }
.LBB2_15:
0x10a: {  	s11 =	sadd.s32 $0x10, s11  }
0x10b: {  	v1 =	vld [tilespmem:s2+$0x0];
	[tilespmem:s0+$0x0] =	vst v0;
	s0 =	smov.u32 s2;
	p0 =	slt.u32 s11, $0xB8  }
.Ltmp6:
0x10c: {  	(pc) =	sbr.rel @p0 .LBB2_15-.Ltmp6, $2  }
0x10d: {  	_ =	sdelay $0x2  }
0x10e: {  	s2 =	sadd.s32 $0x10, s2;
	v0 =	vshll.u32 v1, $0x1  }
0x10f: {  	v1 =	vld [tilespmem:s2+$0x0];
	_ =	sdelay $0x4  }
0x110: {  	[tilespmem:s0+$0x0] =	vst v0;
	p0 =	seq.s32 s22, $0x29;
	v0 =	vshll.u32 v1, $0x1  }
0x111: {  	s0 =	sadd.s32 @!p0 s28, s14;
	[tilespmem:s2+$0x0] =	vst v0  }
0x112: {  	[tilespmem:s31], [sflag:$0x5] =	stream.indirect.gather [hbm4b:s5+s24], $0x40, s21, s24, $0xb8;
	[tilespmem:$0xCA70] =	vst v63  }
0x113: {  	s11 =	simm.s32 $0x4C00;
	s0 =	smul.u32 @!p0 $0x19, s0;
	s2 =	simm.s32 $0x9738  }
0x114: {  	[tilespmem:s11], [sflag:$0x5] =	stream.indirect.gather [hbm4b:s5+s26], $0x40, s2, s26, $0xb8;
	[tilespmem:$0xCA70] =	vst v63  }
0x115: {  	_ =	swait.ge [sflag:s10], $0x3200  }
0x116: {  	s29 =	simm.s32 $0x6480;
	s0 =	sadd.s32 @!p0 s1, s0;
	[sflag:s10] =	ssyncset.done $0x0  }
0x117: {  	s2 =	simm.s32 @!p0 $0x0;
	s11 =	simm.s32 @!p0 $0x97A0;
	[sflag:s10] =	ssyncadd.s32 $0xFFFFCE00  }
0x118: {  	[tilespmem:s11], [sflag:$0x3] =	stream.linear.gather @!p0 [hbm4b:s0+s2], $0xC8, $0x38;
	[tilespmem:$0xCA70] =	vst v63  }
0x119: {  	s0 =	simm.s32 $0x98F0;
	v0 =	vld [tilespmem:s29+$0x40]  }
0x11a: {  	v1 =	vld [tilespmem:s0+$0x40]  }
0x11b: {  	v2 =	vld [tilespmem:s29+$0xFFFFFFC0]  }
0x11c: {  	v3 =	vld [tilespmem:s0+$0xFFFFFFC0]  }
0x11d: {  	v4 =	vld [tilespmem:s29+$0x0]  }
0x11e: {  	v5 =	vld [tilespmem:s0+$0x0]  }
0x11f: {  	v6 =	vld [tilespmem:s29+$0xFFFFFF80];
	v0 =	vadd.f32 v1, v0  }
0x120: {  	v1 =	vld [tilespmem:s0+$0xFFFFFF80]  }
0x121: {  	[tilespmem:s29+$0x40] =	vst v0;
	v0 =	vld [tilespmem:s29+$0x50]  }
0x122: {  	v2 =	vadd.f32 v3, v2;
	v3 =	vld [tilespmem:s0+$0x50]  }
0x123: {  	v7 =	vld [tilespmem:s29+$0xFFFFFF90]  }
0x124: {  	[tilespmem:s29+$0xFFFFFFC0] =	vst v2;
	v2 =	vadd.f32 v5, v4;
	v4 =	vld [tilespmem:s29+$0xFFFFFFD0]  }
0x125: {  	v5 =	vld [tilespmem:s0+$0xFFFFFFD0];
	v1 =	vadd.f32 v1, v6  }
0x126: {  	[tilespmem:s29+$0x0] =	vst v2;
	v2 =	vld [tilespmem:s29+$0x10]  }
0x127: {  	v6 =	vld [tilespmem:s0+$0x10];
	[tilespmem:s29+$0xFFFFFF80] =	vst v1;
	v0 =	vadd.f32 v3, v0  }
0x128: {  	v1 =	vld [tilespmem:s0+$0xFFFFFF90]  }
0x129: {  	[tilespmem:s29+$0x50] =	vst v0;
	v0 =	vld [tilespmem:s29+$0x60]  }
0x12a: {  	v3 =	vadd.f32 v5, v4;
	v4 =	vld [tilespmem:s0+$0x60]  }
0x12b: {  	v5 =	vld [tilespmem:s29+$0xFFFFFFA0]  }
0x12c: {  	[tilespmem:s29+$0xFFFFFFD0] =	vst v3;
	v2 =	vadd.f32 v6, v2;
	v3 =	vld [tilespmem:s29+$0xFFFFFFE0]  }
0x12d: {  	v6 =	vld [tilespmem:s0+$0xFFFFFFE0];
	v1 =	vadd.f32 v1, v7  }
0x12e: {  	[tilespmem:s29+$0x10] =	vst v2;
	v2 =	vld [tilespmem:s29+$0x20]  }
0x12f: {  	v7 =	vld [tilespmem:s0+$0x20];
	[tilespmem:s29+$0xFFFFFF90] =	vst v1;
	v0 =	vadd.f32 v4, v0  }
0x130: {  	v4 =	vld [tilespmem:s0+$0xFFFFFFA0]  }
0x131: {  	v8 =	vld [tilespmem:s29+$0x70];
	[tilespmem:s29+$0x60] =	vst v0  }
0x132: {  	v1 =	vadd.f32 v6, v3;
	v6 =	vld [tilespmem:s0+$0x70]  }
0x133: {  	v0 =	vld [tilespmem:s29+$0xFFFFFFB0]  }
0x134: {  	[tilespmem:s29+$0xFFFFFFE0] =	vst v1;
	v2 =	vadd.f32 v7, v2;
	v1 =	vld [tilespmem:s29+$0xFFFFFFF0]  }
0x135: {  	v3 =	vld [tilespmem:s0+$0xFFFFFFF0];
	v4 =	vadd.f32 v4, v5  }
0x136: {  	[tilespmem:s29+$0x20] =	vst v2;
	v2 =	vld [tilespmem:s29+$0x30]  }
0x137: {  	[tilespmem:s29+$0xFFFFFFA0] =	vst v4;
	v4 =	vld [tilespmem:s0+$0x30];
	v6 =	vadd.f32 v6, v8  }
0x138: {  	s2 =	simm.s32 $0x0;
	s11 =	simm.s32 $0x6580;
	v5 =	vld [tilespmem:s0+$0xFFFFFFB0]  }
.LBB2_17:
0x139: {  	v7 =	vld [tilespmem:s11+$0x40];
	[tilespmem:s29+$0x70] =	vst v6;
	s0 =	sadd.s32 $0x100, s0  }
0x13a: {  	s2 =	sadd.s32 $0x4, s2;
	v6 =	vld [tilespmem:s0+$0x40];
	v1 =	vadd.f32 v3, v1  }
0x13b: {  	p0 =	slt.u32 s2, $0xC4;
	v3 =	vld [tilespmem:s0+$0xFFFFFF80]  }
0x13c: {  	v8 =	vld [tilespmem:s11+$0xFFFFFFC0];
	[tilespmem:s29+$0xFFFFFFF0] =	vst v1;
	v1 =	vadd.f32 v4, v2  }
0x13d: {  	v2 =	vld [tilespmem:s0+$0xFFFFFFC0];
	v0 =	vadd.f32 v5, v0  }
0x13e: {  	v4 =	vld [tilespmem:s11+$0x0];
	[tilespmem:s29+$0x30] =	vst v1  }
0x13f: {  	v1 =	vld [tilespmem:s0+$0x0];
	v5 =	vadd.f32 v6, v7;
	[tilespmem:s29+$0xFFFFFFB0] =	vst v0;
	s29 =	smov.u32 s11  }
0x140: {  	v0 =	vld [tilespmem:s11+$0xFFFFFF80]  }
0x141: {  	[tilespmem:s11+$0x40] =	vst v5;
	v5 =	vld [tilespmem:s11+$0x50]  }
0x142: {  	v2 =	vadd.f32 v2, v8;
	v6 =	vld [tilespmem:s0+$0x50]  }
0x143: {  	v7 =	vld [tilespmem:s11+$0xFFFFFF90]  }
0x144: {  	[tilespmem:s11+$0xFFFFFFC0] =	vst v2;
	v2 =	vld [tilespmem:s11+$0xFFFFFFD0];
	v1 =	vadd.f32 v1, v4  }
0x145: {  	v0 =	vadd.f32 v3, v0;
	v3 =	vld [tilespmem:s0+$0xFFFFFFD0]  }
0x146: {  	[tilespmem:s11+$0x0] =	vst v1;
	v1 =	vld [tilespmem:s11+$0x10]  }
0x147: {  	[tilespmem:s11+$0xFFFFFF80] =	vst v0;
	v0 =	vld [tilespmem:s0+$0x10];
	v4 =	vadd.f32 v6, v5  }
0x148: {  	v5 =	vld [tilespmem:s0+$0xFFFFFF90]  }
0x149: {  	[tilespmem:s11+$0x50] =	vst v4;
	v4 =	vld [tilespmem:s11+$0x60]  }
0x14a: {  	v2 =	vadd.f32 v3, v2;
	v3 =	vld [tilespmem:s0+$0x60]  }
0x14b: {  	v6 =	vld [tilespmem:s11+$0xFFFFFFA0]  }
0x14c: {  	[tilespmem:s11+$0xFFFFFFD0] =	vst v2;
	v2 =	vld [tilespmem:s11+$0xFFFFFFE0];
	v0 =	vadd.f32 v0, v1  }
0x14d: {  	v1 =	vadd.f32 v5, v7;
	v5 =	vld [tilespmem:s0+$0xFFFFFFE0]  }
0x14e: {  	[tilespmem:s11+$0x10] =	vst v0;
	v7 =	vld [tilespmem:s11+$0x20]  }
0x14f: {  	[tilespmem:s11+$0xFFFFFF90] =	vst v1;
	v8 =	vld [tilespmem:s0+$0x20];
	v0 =	vadd.f32 v3, v4  }
0x150: {  	v3 =	vld [tilespmem:s0+$0xFFFFFFA0]  }
0x151: {  	[tilespmem:s11+$0x60] =	vst v0;
	v9 =	vld [tilespmem:s11+$0x70]  }
0x152: {  	v1 =	vadd.f32 v5, v2;
	v5 =	vld [tilespmem:s0+$0x70]  }
0x153: {  	v0 =	vld [tilespmem:s11+$0xFFFFFFB0]  }
.Ltmp7:
0x154: {  	[tilespmem:s11+$0xFFFFFFE0] =	vst v1;
	v1 =	vld [tilespmem:s11+$0xFFFFFFF0];
	v2 =	vadd.f32 v8, v7;
	(pc) =	sbr.rel @p0 .LBB2_17-.Ltmp7, $4  }
0x155: {  	v4 =	vadd.f32 v3, v6;
	v3 =	vld [tilespmem:s0+$0xFFFFFFF0]  }
0x156: {  	[tilespmem:s11+$0x20] =	vst v2;
	v2 =	vld [tilespmem:s11+$0x30]  }
0x157: {  	[tilespmem:s11+$0xFFFFFFA0] =	vst v4;
	v4 =	vld [tilespmem:s0+$0x30];
	v6 =	vadd.f32 v5, v9  }
0x158: {  	s11 =	sadd.s32 $0x100, s11;
	v5 =	vld [tilespmem:s0+$0xFFFFFFB0]  }
0x159: {  	_ = 	snop  }
0x15a: {  	s22 =	sadd.s32 $0x1, s22  }
0x15b: {  	v1 =	vadd.f32 v3, v1;
	p0 =	sne.s32 s22, $0x2A  }
.Ltmp8:
0x15c: {  	[tilespmem:s29+$0x70] =	vst v6;
	s0 =	sadd.s32 s28, s15;
	v2 =	vadd.f32 v4, v2;
	(pc) =	sbr.rel @p0 .LBB2_6-.Ltmp8, $4  }
0x15d: {  	s0 =	smul.u32 $0xC80, s0;
	[tilespmem:s29+$0xFFFFFFF0] =	vst v1;
	v0 =	vadd.f32 v5, v0  }
0x15e: {  	[tilespmem:s29+$0x30] =	vst v2  }
0x15f: {  	s0 =	sadd.s32 s3, s0;
	[tilespmem:s29+$0xFFFFFFB0] =	vst v0  }
0x160: {  	[hbm4b:s0+s17] =	stream.strided.scatter [tilespmem:s6], [sflag:$0x9], $0x3200, s18, s17, $0x38;
	[tilespmem:$0xCA70] =	vst v63  }
0x161: {  	_ =	swait.ge [sflag:s16], $0x3200  }
0x162: {  	[sflag:s16] =	ssyncset.done $0x0  }
0x163: {  	s22 =	simm.s32 $0x80;
	[sflag:s16] =	ssyncadd.s32 $0xFFFFCE00  }
0x164: {  	s0 =	simm.s32 $0x98F0;
	v0 =	vld [tilespmem:s22+$0x40]  }
0x165: {  	v1 =	vld [tilespmem:s0+$0x40]  }
0x166: {  	v2 =	vld [tilespmem:s22+$0xFFFFFFC0]  }
0x167: {  	v3 =	vld [tilespmem:s0+$0xFFFFFFC0]  }
0x168: {  	v4 =	vld [tilespmem:s22+$0x0]  }
0x169: {  	v5 =	vld [tilespmem:s0+$0x0]  }
0x16a: {  	v6 =	vld [tilespmem:s22+$0xFFFFFF80];
	v0 =	vadd.f32 v1, v0  }
0x16b: {  	v1 =	vld [tilespmem:s0+$0xFFFFFF80]  }
0x16c: {  	[tilespmem:s22+$0x40] =	vst v0;
	v0 =	vld [tilespmem:s22+$0x50]  }
0x16d: {  	v2 =	vadd.f32 v3, v2;
	v3 =	vld [tilespmem:s0+$0x50]  }
0x16e: {  	v7 =	vld [tilespmem:s22+$0xFFFFFF90]  }
0x16f: {  	[tilespmem:s22+$0xFFFFFFC0] =	vst v2;
	v2 =	vadd.f32 v5, v4;
	v4 =	vld [tilespmem:s22+$0xFFFFFFD0]  }
0x170: {  	v5 =	vld [tilespmem:s0+$0xFFFFFFD0];
	v1 =	vadd.f32 v1, v6  }
0x171: {  	[tilespmem:s22+$0x0] =	vst v2;
	v2 =	vld [tilespmem:s22+$0x10]  }
0x172: {  	v6 =	vld [tilespmem:s0+$0x10];
	[tilespmem:s22+$0xFFFFFF80] =	vst v1;
	v0 =	vadd.f32 v3, v0  }
0x173: {  	v1 =	vld [tilespmem:s0+$0xFFFFFF90]  }
0x174: {  	[tilespmem:s22+$0x50] =	vst v0;
	v0 =	vld [tilespmem:s22+$0x60]  }
0x175: {  	v3 =	vadd.f32 v5, v4;
	v4 =	vld [tilespmem:s0+$0x60]  }
0x176: {  	v5 =	vld [tilespmem:s22+$0xFFFFFFA0]  }
0x177: {  	[tilespmem:s22+$0xFFFFFFD0] =	vst v3;
	v2 =	vadd.f32 v6, v2;
	v3 =	vld [tilespmem:s22+$0xFFFFFFE0]  }
0x178: {  	v6 =	vld [tilespmem:s0+$0xFFFFFFE0];
	v1 =	vadd.f32 v1, v7  }
0x179: {  	[tilespmem:s22+$0x10] =	vst v2;
	v2 =	vld [tilespmem:s22+$0x20]  }
0x17a: {  	v7 =	vld [tilespmem:s0+$0x20];
	[tilespmem:s22+$0xFFFFFF90] =	vst v1;
	v0 =	vadd.f32 v4, v0  }
0x17b: {  	v4 =	vld [tilespmem:s0+$0xFFFFFFA0]  }
0x17c: {  	v8 =	vld [tilespmem:s22+$0x70];
	[tilespmem:s22+$0x60] =	vst v0  }
0x17d: {  	v1 =	vadd.f32 v6, v3;
	v6 =	vld [tilespmem:s0+$0x70]  }
0x17e: {  	v0 =	vld [tilespmem:s22+$0xFFFFFFB0]  }
0x17f: {  	[tilespmem:s22+$0xFFFFFFE0] =	vst v1;
	v2 =	vadd.f32 v7, v2;
	v1 =	vld [tilespmem:s22+$0xFFFFFFF0]  }
0x180: {  	v3 =	vld [tilespmem:s0+$0xFFFFFFF0];
	v4 =	vadd.f32 v4, v5  }
0x181: {  	[tilespmem:s22+$0x20] =	vst v2;
	v2 =	vld [tilespmem:s22+$0x30]  }
0x182: {  	[tilespmem:s22+$0xFFFFFFA0] =	vst v4;
	v4 =	vld [tilespmem:s0+$0x30];
	v6 =	vadd.f32 v6, v8  }
0x183: {  	s2 =	simm.s32 $0x0;
	s11 =	simm.s32 $0x180;
	v5 =	vld [tilespmem:s0+$0xFFFFFFB0]  }
.LBB2_20:
0x184: {  	v7 =	vld [tilespmem:s11+$0x40];
	[tilespmem:s22+$0x70] =	vst v6;
	s0 =	sadd.s32 $0x100, s0  }
0x185: {  	s2 =	sadd.s32 $0x4, s2;
	v6 =	vld [tilespmem:s0+$0x40];
	v1 =	vadd.f32 v3, v1  }
0x186: {  	p0 =	slt.u32 s2, $0xC4;
	v3 =	vld [tilespmem:s0+$0xFFFFFF80]  }
0x187: {  	v8 =	vld [tilespmem:s11+$0xFFFFFFC0];
	[tilespmem:s22+$0xFFFFFFF0] =	vst v1;
	v1 =	vadd.f32 v4, v2  }
0x188: {  	v2 =	vld [tilespmem:s0+$0xFFFFFFC0];
	v0 =	vadd.f32 v5, v0  }
0x189: {  	v4 =	vld [tilespmem:s11+$0x0];
	[tilespmem:s22+$0x30] =	vst v1  }
0x18a: {  	v1 =	vld [tilespmem:s0+$0x0];
	v5 =	vadd.f32 v6, v7;
	[tilespmem:s22+$0xFFFFFFB0] =	vst v0;
	s22 =	smov.u32 s11  }
0x18b: {  	v0 =	vld [tilespmem:s11+$0xFFFFFF80]  }
0x18c: {  	[tilespmem:s11+$0x40] =	vst v5;
	v5 =	vld [tilespmem:s11+$0x50]  }
0x18d: {  	v2 =	vadd.f32 v2, v8;
	v6 =	vld [tilespmem:s0+$0x50]  }
0x18e: {  	v7 =	vld [tilespmem:s11+$0xFFFFFF90]  }
0x18f: {  	[tilespmem:s11+$0xFFFFFFC0] =	vst v2;
	v2 =	vld [tilespmem:s11+$0xFFFFFFD0];
	v1 =	vadd.f32 v1, v4  }
0x190: {  	v0 =	vadd.f32 v3, v0;
	v3 =	vld [tilespmem:s0+$0xFFFFFFD0]  }
0x191: {  	[tilespmem:s11+$0x0] =	vst v1;
	v1 =	vld [tilespmem:s11+$0x10]  }
0x192: {  	[tilespmem:s11+$0xFFFFFF80] =	vst v0;
	v0 =	vld [tilespmem:s0+$0x10];
	v4 =	vadd.f32 v6, v5  }
0x193: {  	v5 =	vld [tilespmem:s0+$0xFFFFFF90]  }
0x194: {  	[tilespmem:s11+$0x50] =	vst v4;
	v4 =	vld [tilespmem:s11+$0x60]  }
0x195: {  	v2 =	vadd.f32 v3, v2;
	v3 =	vld [tilespmem:s0+$0x60]  }
0x196: {  	v6 =	vld [tilespmem:s11+$0xFFFFFFA0]  }
0x197: {  	[tilespmem:s11+$0xFFFFFFD0] =	vst v2;
	v2 =	vld [tilespmem:s11+$0xFFFFFFE0];
	v0 =	vadd.f32 v0, v1  }
0x198: {  	v1 =	vadd.f32 v5, v7;
	v5 =	vld [tilespmem:s0+$0xFFFFFFE0]  }
0x199: {  	[tilespmem:s11+$0x10] =	vst v0;
	v7 =	vld [tilespmem:s11+$0x20]  }
0x19a: {  	[tilespmem:s11+$0xFFFFFF90] =	vst v1;
	v8 =	vld [tilespmem:s0+$0x20];
	v0 =	vadd.f32 v3, v4  }
0x19b: {  	v3 =	vld [tilespmem:s0+$0xFFFFFFA0]  }
0x19c: {  	[tilespmem:s11+$0x60] =	vst v0;
	v9 =	vld [tilespmem:s11+$0x70]  }
0x19d: {  	v1 =	vadd.f32 v5, v2;
	v5 =	vld [tilespmem:s0+$0x70]  }
0x19e: {  	v0 =	vld [tilespmem:s11+$0xFFFFFFB0]  }
.Ltmp9:
0x19f: {  	[tilespmem:s11+$0xFFFFFFE0] =	vst v1;
	v1 =	vld [tilespmem:s11+$0xFFFFFFF0];
	v2 =	vadd.f32 v8, v7;
	(pc) =	sbr.rel @p0 .LBB2_20-.Ltmp9, $4  }
0x1a0: {  	v4 =	vadd.f32 v3, v6;
	v3 =	vld [tilespmem:s0+$0xFFFFFFF0]  }
0x1a1: {  	[tilespmem:s11+$0x20] =	vst v2;
	v2 =	vld [tilespmem:s11+$0x30]  }
0x1a2: {  	[tilespmem:s11+$0xFFFFFFA0] =	vst v4;
	v4 =	vld [tilespmem:s0+$0x30];
	v6 =	vadd.f32 v5, v9  }
0x1a3: {  	s11 =	sadd.s32 $0x100, s11;
	v5 =	vld [tilespmem:s0+$0xFFFFFFB0]  }
0x1a4: {  	_ =	sdelay $0x1  }
0x1a5: {  	v1 =	vadd.f32 v3, v1  }
0x1a6: {  	[tilespmem:s22+$0x70] =	vst v6;
	v2 =	vadd.f32 v4, v2  }
0x1a7: {  	[tilespmem:s22+$0xFFFFFFF0] =	vst v1;
	v0 =	vadd.f32 v5, v0  }
0x1a8: {  	[tilespmem:s22+$0x30] =	vst v2  }
0x1a9: {  	[tilespmem:s22+$0xFFFFFFB0] =	vst v0  }
0x1aa: {  	s0 =	rddreg [dreg:$0x9]  }
0x1ab: {  	[hbm4b:s0+s17] =	stream.strided.scatter [tilespmem:s4], [sflag:$0x7], $0x3200, s18, s17, $0x38;
	[tilespmem:$0xCA70] =	vst v63  }
0x1ac: {  	_ =	swait.ge [sflag:s20], $0x3200  }
0x1ad: {  	[sflag:s20] =	ssyncset.done $0x0  }
0x1ae: {  	s22 =	simm.s32 $0x3280;
	[sflag:s20] =	ssyncadd.s32 $0xFFFFCE00  }
0x1af: {  	s0 =	simm.s32 $0x98F0;
	v0 =	vld [tilespmem:s22+$0x40]  }
0x1b0: {  	v1 =	vld [tilespmem:s0+$0x40]  }
0x1b1: {  	v2 =	vld [tilespmem:s22+$0xFFFFFFC0]  }
0x1b2: {  	v3 =	vld [tilespmem:s0+$0xFFFFFFC0]  }
0x1b3: {  	v4 =	vld [tilespmem:s22+$0x0]  }
0x1b4: {  	v5 =	vld [tilespmem:s0+$0x0]  }
0x1b5: {  	v6 =	vld [tilespmem:s22+$0xFFFFFF80];
	v0 =	vadd.f32 v1, v0  }
0x1b6: {  	v1 =	vld [tilespmem:s0+$0xFFFFFF80]  }
0x1b7: {  	[tilespmem:s22+$0x40] =	vst v0;
	v0 =	vld [tilespmem:s22+$0x50]  }
0x1b8: {  	v2 =	vadd.f32 v3, v2;
	v3 =	vld [tilespmem:s0+$0x50]  }
0x1b9: {  	v7 =	vld [tilespmem:s22+$0xFFFFFF90]  }
0x1ba: {  	[tilespmem:s22+$0xFFFFFFC0] =	vst v2;
	v2 =	vadd.f32 v5, v4;
	v4 =	vld [tilespmem:s22+$0xFFFFFFD0]  }
0x1bb: {  	v5 =	vld [tilespmem:s0+$0xFFFFFFD0];
	v1 =	vadd.f32 v1, v6  }
0x1bc: {  	[tilespmem:s22+$0x0] =	vst v2;
	v2 =	vld [tilespmem:s22+$0x10]  }
0x1bd: {  	v6 =	vld [tilespmem:s0+$0x10];
	[tilespmem:s22+$0xFFFFFF80] =	vst v1;
	v0 =	vadd.f32 v3, v0  }
0x1be: {  	v1 =	vld [tilespmem:s0+$0xFFFFFF90]  }
0x1bf: {  	[tilespmem:s22+$0x50] =	vst v0;
	v0 =	vld [tilespmem:s22+$0x60]  }
0x1c0: {  	v3 =	vadd.f32 v5, v4;
	v4 =	vld [tilespmem:s0+$0x60]  }
0x1c1: {  	v5 =	vld [tilespmem:s22+$0xFFFFFFA0]  }
0x1c2: {  	[tilespmem:s22+$0xFFFFFFD0] =	vst v3;
	v2 =	vadd.f32 v6, v2;
	v3 =	vld [tilespmem:s22+$0xFFFFFFE0]  }
0x1c3: {  	v6 =	vld [tilespmem:s0+$0xFFFFFFE0];
	v1 =	vadd.f32 v1, v7  }
0x1c4: {  	[tilespmem:s22+$0x10] =	vst v2;
	v2 =	vld [tilespmem:s22+$0x20]  }
0x1c5: {  	v7 =	vld [tilespmem:s0+$0x20];
	[tilespmem:s22+$0xFFFFFF90] =	vst v1;
	v0 =	vadd.f32 v4, v0  }
0x1c6: {  	v4 =	vld [tilespmem:s0+$0xFFFFFFA0]  }
0x1c7: {  	v8 =	vld [tilespmem:s22+$0x70];
	[tilespmem:s22+$0x60] =	vst v0  }
0x1c8: {  	v1 =	vadd.f32 v6, v3;
	v6 =	vld [tilespmem:s0+$0x70]  }
0x1c9: {  	v0 =	vld [tilespmem:s22+$0xFFFFFFB0]  }
0x1ca: {  	[tilespmem:s22+$0xFFFFFFE0] =	vst v1;
	v2 =	vadd.f32 v7, v2;
	v1 =	vld [tilespmem:s22+$0xFFFFFFF0]  }
0x1cb: {  	v3 =	vld [tilespmem:s0+$0xFFFFFFF0];
	v4 =	vadd.f32 v4, v5  }
0x1cc: {  	[tilespmem:s22+$0x20] =	vst v2;
	v2 =	vld [tilespmem:s22+$0x30]  }
0x1cd: {  	[tilespmem:s22+$0xFFFFFFA0] =	vst v4;
	v4 =	vld [tilespmem:s0+$0x30];
	v6 =	vadd.f32 v6, v8  }
0x1ce: {  	s2 =	simm.s32 $0x0;
	s11 =	simm.s32 $0x3380;
	v5 =	vld [tilespmem:s0+$0xFFFFFFB0]  }
.LBB2_22:
0x1cf: {  	v7 =	vld [tilespmem:s11+$0x40];
	[tilespmem:s22+$0x70] =	vst v6;
	s0 =	sadd.s32 $0x100, s0  }
0x1d0: {  	s2 =	sadd.s32 $0x4, s2;
	v6 =	vld [tilespmem:s0+$0x40];
	v1 =	vadd.f32 v3, v1  }
0x1d1: {  	p0 =	slt.u32 s2, $0xC4;
	v3 =	vld [tilespmem:s0+$0xFFFFFF80]  }
0x1d2: {  	v8 =	vld [tilespmem:s11+$0xFFFFFFC0];
	[tilespmem:s22+$0xFFFFFFF0] =	vst v1;
	v1 =	vadd.f32 v4, v2  }
0x1d3: {  	v2 =	vld [tilespmem:s0+$0xFFFFFFC0];
	v0 =	vadd.f32 v5, v0  }
0x1d4: {  	v4 =	vld [tilespmem:s11+$0x0];
	[tilespmem:s22+$0x30] =	vst v1  }
0x1d5: {  	v1 =	vld [tilespmem:s0+$0x0];
	v5 =	vadd.f32 v6, v7;
	[tilespmem:s22+$0xFFFFFFB0] =	vst v0;
	s22 =	smov.u32 s11  }
0x1d6: {  	v0 =	vld [tilespmem:s11+$0xFFFFFF80]  }
0x1d7: {  	[tilespmem:s11+$0x40] =	vst v5;
	v5 =	vld [tilespmem:s11+$0x50]  }
0x1d8: {  	v2 =	vadd.f32 v2, v8;
	v6 =	vld [tilespmem:s0+$0x50]  }
0x1d9: {  	v7 =	vld [tilespmem:s11+$0xFFFFFF90]  }
0x1da: {  	[tilespmem:s11+$0xFFFFFFC0] =	vst v2;
	v2 =	vld [tilespmem:s11+$0xFFFFFFD0];
	v1 =	vadd.f32 v1, v4  }
0x1db: {  	v0 =	vadd.f32 v3, v0;
	v3 =	vld [tilespmem:s0+$0xFFFFFFD0]  }
0x1dc: {  	[tilespmem:s11+$0x0] =	vst v1;
	v1 =	vld [tilespmem:s11+$0x10]  }
0x1dd: {  	[tilespmem:s11+$0xFFFFFF80] =	vst v0;
	v0 =	vld [tilespmem:s0+$0x10];
	v4 =	vadd.f32 v6, v5  }
0x1de: {  	v5 =	vld [tilespmem:s0+$0xFFFFFF90]  }
0x1df: {  	[tilespmem:s11+$0x50] =	vst v4;
	v4 =	vld [tilespmem:s11+$0x60]  }
0x1e0: {  	v2 =	vadd.f32 v3, v2;
	v3 =	vld [tilespmem:s0+$0x60]  }
0x1e1: {  	v6 =	vld [tilespmem:s11+$0xFFFFFFA0]  }
0x1e2: {  	[tilespmem:s11+$0xFFFFFFD0] =	vst v2;
	v2 =	vld [tilespmem:s11+$0xFFFFFFE0];
	v0 =	vadd.f32 v0, v1  }
0x1e3: {  	v1 =	vadd.f32 v5, v7;
	v5 =	vld [tilespmem:s0+$0xFFFFFFE0]  }
0x1e4: {  	[tilespmem:s11+$0x10] =	vst v0;
	v7 =	vld [tilespmem:s11+$0x20]  }
0x1e5: {  	[tilespmem:s11+$0xFFFFFF90] =	vst v1;
	v8 =	vld [tilespmem:s0+$0x20];
	v0 =	vadd.f32 v3, v4  }
0x1e6: {  	v3 =	vld [tilespmem:s0+$0xFFFFFFA0]  }
0x1e7: {  	[tilespmem:s11+$0x60] =	vst v0;
	v9 =	vld [tilespmem:s11+$0x70]  }
0x1e8: {  	v1 =	vadd.f32 v5, v2;
	v5 =	vld [tilespmem:s0+$0x70]  }
0x1e9: {  	v0 =	vld [tilespmem:s11+$0xFFFFFFB0]  }
.Ltmp10:
0x1ea: {  	[tilespmem:s11+$0xFFFFFFE0] =	vst v1;
	v1 =	vld [tilespmem:s11+$0xFFFFFFF0];
	v2 =	vadd.f32 v8, v7;
	(pc) =	sbr.rel @p0 .LBB2_22-.Ltmp10, $4  }
0x1eb: {  	v4 =	vadd.f32 v3, v6;
	v3 =	vld [tilespmem:s0+$0xFFFFFFF0]  }
0x1ec: {  	[tilespmem:s11+$0x20] =	vst v2;
	v2 =	vld [tilespmem:s11+$0x30]  }
0x1ed: {  	[tilespmem:s11+$0xFFFFFFA0] =	vst v4;
	v4 =	vld [tilespmem:s0+$0x30];
	v6 =	vadd.f32 v5, v9  }
0x1ee: {  	s11 =	sadd.s32 $0x100, s11;
	v5 =	vld [tilespmem:s0+$0xFFFFFFB0]  }
0x1ef: {  	_ =	sdelay $0x1  }
0x1f0: {  	v1 =	vadd.f32 v3, v1  }
0x1f1: {  	[tilespmem:s22+$0x70] =	vst v6;
	v2 =	vadd.f32 v4, v2  }
0x1f2: {  	[tilespmem:s22+$0xFFFFFFF0] =	vst v1;
	v0 =	vadd.f32 v5, v0  }
0x1f3: {  	[tilespmem:s22+$0x30] =	vst v2  }
0x1f4: {  	[tilespmem:s22+$0xFFFFFFB0] =	vst v0  }
0x1f5: {  	s0 =	rddreg [dreg:$0xa]  }
0x1f6: {  	[hbm4b:s0+s17] =	stream.strided.scatter [tilespmem:s31], [sflag:$0x8], $0x3200, s18, s17, $0x38;
	[tilespmem:$0xCA70] =	vst v63  }
0x1f7: {  	_ =	swait.ge [sflag:s8], $0x3200  }
0x1f8: {  	[sflag:s8] =	ssyncset.done $0x0  }
0x1f9: {  	[sflag:s8] =	ssyncadd.s32 $0xFFFFCE00  }
0x1fa: {  	_ =	swait.ge [sflag:s9], $0x3200  }
0x1fb: {  	[sflag:s9] =	ssyncset.done $0x0  }
0x1fc: {  	s2 =	simm.s32 $0x9;
	[sflag:s9] =	ssyncadd.s32 $0xFFFFCE00  }
0x1fd: {  	_ =	swait.ge [sflag:s2], $0x3200  }
0x1fe: {  	s11 =	rddreg [dreg:$0xc]  }
0x1ff: {  	s29 =	rddreg [dreg:$0xb];
	s11 =	sadd.s32 $0x1, s11  }
0x200: {  	p0 =	sne.s32 s11, s29  }
.Ltmp11:
0x201: {  	_ = 	snop;
	(pc) =	sbr.rel @p0 .LBB2_1-.Ltmp11, $3  }
0x202: {  	_ =	sdelay $0x1  }
0x203: {  	[sflag:s2] =	ssyncset.done $0x0  }
0x204: {  	[sflag:s2] =	ssyncadd.s32 $0xFFFFCE00  }
0x205: {  	_ =	sfence.sel $0x180000  }
0x206: {  	[bflag:$0x0] =	sbarrier.arrive $0xFFFF  }
0x207: {  	_ =	strace $0x90000047  }
0x208: {  	s0 =	stileid.u32;
	[bflag:$0x2] =	sbarrier.arrive $0xFFFF  }
0x209: {  	p0 =	sne.s32 s0, $0x0;
	s0 =	rddreg [dreg:$0x3]  }
0x20a: {  	s0 =	sadd.s32 @!p0 $0x100000, s0  }
0x20b: {  	[sflag:s0] =	ssyncadd.tile.s32 @!p0 $0x1;
	_ =	shalt  }
.Lfunc_end2:
_tile_overlayer_lowered:
.L_overlay_start_2:
0x20c: {  	(tag) =	ssettag $0x2  }
0x20d: {  	s0 =	rddreg [dreg:$0x0];
	s2 =	stileid.u32  }
0x20e: {  	s1 =	rddreg [dreg:$0x1];
	p0 =	sne.s32 s2, $0x0  }
0x20f: {  	s3 =	rddreg [dreg:$0x2];
	[bflag:$0x3] =	sbarrier.arrive $0xFFFF;
	s2 =	simm.s32 @!p0 $0x1C0A  }
0x210: {  	[timem:s3], [sflag:s2] =	dma.local @!p0 [hbm:s0], s1  }
0x211: {  	s0 =	simm.s32 @!p0 $0xA  }
0x212: {  	_ =	swait.ge @!p0 [sflag:s0], s1  }
0x213: {  	s1 =	ssub.s32 @!p0 $0x0, s1;
	[sflag:s0] =	ssyncset.done @!p0 $0x0  }
0x214: {  	[sflag:s0] =	ssyncadd.s32 @!p0 s1  }
0x215: {  	[bflag:$0x3] =	sbarrier.arrive $0xFFFF  }
0x216: {  	_ =	shalt  }

</sc_bundles>
